<compile_context>
chip_gen: v7x
topology: tpu7x:2x2x1
jax: 0.10.2.dev20260603
libtpu: 0.0.44.dev20260713+nightly
codegen_flags: <defaults>
</compile_context>

<pallas_src>
import functools

import jax
import jax.numpy as jnp
from jax import lax
from jax.experimental import pallas as pl
from jax.experimental.pallas import tpu as pltpu
from jax.experimental.pallas import tpu_sc as plsc

N = 320000
D = 128
NUM_SEGMENTS = 10000

NC = 2
NS = 16
NW = NC * NS
ROWS_PER_W = N // NW
CHUNK = 80
NCHUNK = ROWS_PER_W // CHUNK
NBUF = 3
NOUTER = (NCHUNK + NBUF - 1) // NBUF
SEG_PAD = 10240
SEG_PER_T = SEG_PAD // NS
STAGE = 64
NSTAGE = SEG_PER_T // STAGE


def _sums_body(x_hbm, b_hbm, sums_out,
               xb0, xb1, xb2, ib0, ib1, ib2, zbuf, acc,
               sx0, sx1, sx2, si0, si1, si2, ss0, ss1, ss2):
    c = lax.axis_index("c")
    s = lax.axis_index("s")
    wid = c * NS + s
    base0 = wid * ROWS_PER_W

    xbs = (xb0, xb1, xb2)
    ibs = (ib0, ib1, ib2)
    sxs = (sx0, sx1, sx2)
    sis = (si0, si1, si2)
    sss = (ss0, ss1, ss2)

    def dma_start(j, k):
        base = base0 + j * CHUNK
        pltpu.async_copy(x_hbm.at[pl.ds(base, CHUNK)], xbs[k], sxs[k])
        pltpu.async_copy(b_hbm.at[pl.ds(base, CHUNK)], ibs[k], sis[k])

    def dma_wait(j, k):
        base = base0 + j * CHUNK
        pltpu.make_async_copy(x_hbm.at[pl.ds(base, CHUNK)], xbs[k], sxs[k]).wait()
        pltpu.make_async_copy(b_hbm.at[pl.ds(base, CHUNK)], ibs[k], sis[k]).wait()

    def scat_start(k):
        pltpu.async_copy(xbs[k], acc.at[ibs[k]], sss[k], add=True)

    def scat_wait(k):
        pltpu.make_async_copy(xbs[k], acc.at[ibs[k]], sss[k]).wait()

    dma_start(0, 0)
    dma_start(1, 1)

    zero16 = jnp.zeros((16,), dtype=jnp.float32)

    def fill_zrow(i, _):
        def fill_zcol(j, _):
            zbuf[i, pl.ds(j * 16, 16)] = zero16
            return 0
        lax.fori_loop(0, D // 16, fill_zcol, 0)
        return 0
    lax.fori_loop(0, STAGE, fill_zrow, 0)

    def zero_slice(t, _):
        pltpu.sync_copy(zbuf, acc.at[pl.ds(s * SEG_PER_T + t * STAGE, STAGE)])
        return 0
    lax.fori_loop(0, NSTAGE, zero_slice, 0)
    plsc.subcore_barrier()

    def outer(i, _):
        for k in range(NBUF):
            j = i * NBUF + k
            kp = (k - 1) % NBUF

            def step():
                if k == 0:
                    @pl.when(i >= 1)
                    def _():
                        scat_wait(kp)
                else:
                    scat_wait(kp)

                @pl.when(j + NBUF - 1 < NCHUNK)
                def _():
                    dma_start(j + NBUF - 1, kp)

                dma_wait(j, k)
                scat_start(k)

            if (NOUTER - 1) * NBUF + k >= NCHUNK:
                @pl.when(j < NCHUNK)
                def _():
                    step()
            else:
                step()
        return 0
    lax.fori_loop(0, NOUTER, outer, 0)
    scat_wait((NCHUNK - 1) % NBUF)

    plsc.subcore_barrier()

    out_base = c * SEG_PAD + s * SEG_PER_T

    def stage_step(t, _):
        src = s * SEG_PER_T + t * STAGE
        pltpu.sync_copy(acc.at[pl.ds(src, STAGE)], zbuf)
        pltpu.sync_copy(zbuf, sums_out.at[pl.ds(out_base + t * STAGE, STAGE)])
        return 0
    lax.fori_loop(0, NSTAGE, stage_step, 0)





_sc_sums = functools.partial(
    pl.kernel,
    out_type=jax.ShapeDtypeStruct((NC * SEG_PAD, D), jnp.float32),
    mesh=plsc.VectorSubcoreMesh(core_axis_name="c", subcore_axis_name="s"),
    scratch_types=[
        pltpu.VMEM((CHUNK, D), jnp.float32),
        pltpu.VMEM((CHUNK, D), jnp.float32),
        pltpu.VMEM((CHUNK, D), jnp.float32),
        pltpu.VMEM((CHUNK,), jnp.int32),
        pltpu.VMEM((CHUNK,), jnp.int32),
        pltpu.VMEM((CHUNK,), jnp.int32),
        pltpu.VMEM((STAGE, D), jnp.float32),
        pltpu.VMEM_SHARED((SEG_PAD, D), jnp.float32),
        pltpu.SemaphoreType.DMA,
        pltpu.SemaphoreType.DMA,
        pltpu.SemaphoreType.DMA,
        pltpu.SemaphoreType.DMA,
        pltpu.SemaphoreType.DMA,
        pltpu.SemaphoreType.DMA,
        pltpu.SemaphoreType.DMA,
        pltpu.SemaphoreType.DMA,
        pltpu.SemaphoreType.DMA,
    ],
)(_sums_body)


BS = 1024
HK = 2000


def _hist_body(b_ref, h_ref):
    i = pl.program_id(0)

    @pl.when(i == 0)
    def _():
        h_ref[...] = jnp.zeros((D, D), jnp.float32)

    vals = b_ref[...]
    lanes = lax.broadcasted_iota(jnp.int32, (1, D), 1)
    coarse = vals // jnp.int32(D)
    fine = vals - coarse * jnp.int32(D)
    a = (coarse == lanes).astype(jnp.bfloat16)
    b = (fine == lanes).astype(jnp.bfloat16)
    h_ref[...] += lax.dot_general(
        a, b, (((0,), (0,)), ((), ())),
        preferred_element_type=jnp.float32)


def _combine_body(s_ref, c_ref, o_ref):
    sums = s_ref[0] + s_ref[1]
    cnt = c_ref[...]
    o_ref[...] = sums / jnp.maximum(cnt, 1.0)


def kernel(x, batch):
    hist = pl.pallas_call(
        _hist_body,
        out_shape=jax.ShapeDtypeStruct((D, D), jnp.float32),
        grid=(N // HK,),
        in_specs=[pl.BlockSpec((HK, 1), lambda i: (i, 0))],
        out_specs=pl.BlockSpec((D, D), lambda i: (0, 0)),
    )(batch.reshape(N, 1))
    sums = _sc_sums(x, batch)
    sums = sums.reshape(NC, SEG_PAD, D)
    cnt_col = hist.reshape(D * D, 1)
    out = pl.pallas_call(
        _combine_body,
        out_shape=jax.ShapeDtypeStruct((NUM_SEGMENTS, D), jnp.float32),
        grid=(SEG_PAD // BS,),
        in_specs=[
            pl.BlockSpec((NC, BS, D), lambda i: (0, i, 0)),
            pl.BlockSpec((BS, 1), lambda i: (i, 0)),
        ],
        out_specs=pl.BlockSpec((BS, D), lambda i: (i, 0)),
    )(sums, cnt_col)
    return out

# --- scband reference (transcript-rebuilt; emitter-appended) ---
"""Pipeline reference for scband-mean-n-batch-geometric-6184752906291 (READ-ONLY COPY).

The authoritative reference and input builder live on the scoring server;
editing this copy changes nothing except your own understanding.
"""

import jax, jax.numpy as jnp
import numpy as np

N = 320000
D = 128
NUM_SEGMENTS = 10000


def setup_inputs(seed: int = 0) -> dict:
    key = jax.random.key(seed)
    kx, kb = jax.random.split(key)
    x = jax.random.normal(kx, (N, D), dtype=jnp.float32)
    batch = jnp.sort(jax.random.randint(kb, (N,), 0, NUM_SEGMENTS, dtype=jnp.int32))
    return {"x": x, "batch": batch}


def reference(x, batch):
    # Faithful translation of torch_scatter.scatter_mean(x, batch, dim=0):
    # per-segment sum divided by per-segment count (clamped to >= 1).
    sums = jax.ops.segment_sum(x, batch, num_segments=NUM_SEGMENTS)
    counts = jax.ops.segment_sum(
        jnp.ones((x.shape[0], 1), dtype=x.dtype), batch, num_segments=NUM_SEGMENTS
    )
    out = sums / jnp.clip(counts, 1.0, None)
    return out

if __name__ == "__main__":
    import jax
    _d = setup_inputs()
    print(jax.jit(kernel)(*tuple(_d.values())))

</pallas_src>

<mosaic_0001>
#map = affine_map<(d0, d1) -> (0, 0)>
#map1 = affine_map<(d0, d1) -> (0)>
module attributes {stable_mosaic.version = 14 : i64} {
  func.func @_sums_body(%arg0: i32, %arg1: i32, %arg2: memref<320000x128xf32, #tpu.memory_space<hbm>>, %arg3: memref<320000xi32, #tpu.memory_space<hbm>>, %arg4: memref<20480x128xf32, #tpu.memory_space<hbm>>, %arg5: memref<80x128xf32, #tpu.memory_space<vmem>>, %arg6: memref<80x128xf32, #tpu.memory_space<vmem>>, %arg7: memref<80x128xf32, #tpu.memory_space<vmem>>, %arg8: memref<80xi32, #tpu.memory_space<vmem>>, %arg9: memref<80xi32, #tpu.memory_space<vmem>>, %arg10: memref<80xi32, #tpu.memory_space<vmem>>, %arg11: memref<64x128xf32, #tpu.memory_space<vmem>>, %arg12: memref<10240x128xf32, #tpu.memory_space<vmem_shared>>, %arg13: memref<!tpu.dma_semaphore, #tpu.memory_space<semaphore_mem>>, %arg14: memref<!tpu.dma_semaphore, #tpu.memory_space<semaphore_mem>>, %arg15: memref<!tpu.dma_semaphore, #tpu.memory_space<semaphore_mem>>, %arg16: memref<!tpu.dma_semaphore, #tpu.memory_space<semaphore_mem>>, %arg17: memref<!tpu.dma_semaphore, #tpu.memory_space<semaphore_mem>>, %arg18: memref<!tpu.dma_semaphore, #tpu.memory_space<semaphore_mem>>, %arg19: memref<!tpu.dma_semaphore, #tpu.memory_space<semaphore_mem>>, %arg20: memref<!tpu.dma_semaphore, #tpu.memory_space<semaphore_mem>>, %arg21: memref<!tpu.dma_semaphore, #tpu.memory_space<semaphore_mem>>) attributes {dimension_semantics = [#tpu.dimension_semantics<core_parallel>, #tpu.dimension_semantics<subcore_parallel>], iteration_bounds = array<i64: 2, 16>, scalar_prefetch = 0 : i64, scratch_operands = 17 : i64, tpu.core_type = #tpu.core_type<sc_vector_subcore>, window_params = [{transform_indices = #map}, {transform_indices = #map1}, {transform_indices = #map}]} {
    %mul3A = arith.constant 16 : i32
    %mul3A_0 = arith.muli %arg0, %mul3A : i32
    %add3A = arith.addi %mul3A_0, %arg1 : i32
    %mul3A_1 = arith.constant 10000 : i32
    %mul3A_2 = arith.muli %add3A, %mul3A_1 : i32
    %add3A_3 = arith.constant 0 : i32
    %add3A_4 = arith.addi %mul3A_2, %add3A_3 : i32
    %dma_start3A = arith.constant 0 : i32
    %dma_start3A_5 = tpu.memref_slice %arg2[%add3A_4, %dma_start3A] : memref<320000x128xf32, #tpu.memory_space<hbm>> -> memref<80x128xf32, #tpu.memory_space<hbm>>
    %dma_start3A_6 = arith.constant 0 : i32
    %dma_start3A_7 = tpu.memref_slice %arg2[%add3A_4, %dma_start3A_6] : memref<320000x128xf32, #tpu.memory_space<hbm>> -> memref<80x128xf32, #tpu.memory_space<hbm>>
    tpu.enqueue_dma source(%dma_start3A_7 : memref<80x128xf32, #tpu.memory_space<hbm>>) target(%arg5 : memref<80x128xf32, #tpu.memory_space<vmem>>) target_semaphore(%arg13 : memref<!tpu.dma_semaphore, #tpu.memory_space<semaphore_mem>>)
    %dma_start3A_8 = tpu.memref_slice %arg3[%add3A_4] : memref<320000xi32, #tpu.memory_space<hbm>> -> memref<80xi32, #tpu.memory_space<hbm>>
    %dma_start3A_9 = tpu.memref_slice %arg3[%add3A_4] : memref<320000xi32, #tpu.memory_space<hbm>> -> memref<80xi32, #tpu.memory_space<hbm>>
    tpu.enqueue_dma source(%dma_start3A_9 : memref<80xi32, #tpu.memory_space<hbm>>) target(%arg8 : memref<80xi32, #tpu.memory_space<vmem>>) target_semaphore(%arg16 : memref<!tpu.dma_semaphore, #tpu.memory_space<semaphore_mem>>)
    %add3A_10 = arith.constant 80 : i32
    %add3A_11 = arith.addi %mul3A_2, %add3A_10 : i32
    %dma_start3A_12 = arith.constant 0 : i32
    %dma_start3A_13 = tpu.memref_slice %arg2[%add3A_11, %dma_start3A_12] : memref<320000x128xf32, #tpu.memory_space<hbm>> -> memref<80x128xf32, #tpu.memory_space<hbm>>
    %dma_start3A_14 = arith.constant 0 : i32
    %dma_start3A_15 = tpu.memref_slice %arg2[%add3A_11, %dma_start3A_14] : memref<320000x128xf32, #tpu.memory_space<hbm>> -> memref<80x128xf32, #tpu.memory_space<hbm>>
    tpu.enqueue_dma source(%dma_start3A_15 : memref<80x128xf32, #tpu.memory_space<hbm>>) target(%arg6 : memref<80x128xf32, #tpu.memory_space<vmem>>) target_semaphore(%arg14 : memref<!tpu.dma_semaphore, #tpu.memory_space<semaphore_mem>>)
    %dma_start3A_16 = tpu.memref_slice %arg3[%add3A_11] : memref<320000xi32, #tpu.memory_space<hbm>> -> memref<80xi32, #tpu.memory_space<hbm>>
    %dma_start3A_17 = tpu.memref_slice %arg3[%add3A_11] : memref<320000xi32, #tpu.memory_space<hbm>> -> memref<80xi32, #tpu.memory_space<hbm>>
    tpu.enqueue_dma source(%dma_start3A_17 : memref<80xi32, #tpu.memory_space<hbm>>) target(%arg9 : memref<80xi32, #tpu.memory_space<vmem>>) target_semaphore(%arg17 : memref<!tpu.dma_semaphore, #tpu.memory_space<semaphore_mem>>)
    %broadcast_in_dim3A = arith.constant 0.000000e+00 : f32
    %broadcast_in_dim3A_18 = vector.broadcast %broadcast_in_dim3A : f32 to vector<16xf32>
    %scan3A = arith.constant 0 : i32
    %scan3A_19 = arith.constant 0 : i32
    %scan3A_20 = arith.constant 64 : i32
    %scan3A_21 = arith.addi %scan3A_19, %scan3A_20 : i32
    %scan3A_22 = arith.constant 1 : i32
    %scan3A_23 = scf.for %scan3A_54 = %scan3A_19 to %scan3A_21 step %scan3A_22 iter_args(%scan3A_55 = %scan3A) -> (i32)  : i32 {
      %scan3A_56 = arith.constant 0 : i32
      %scan3A_57 = arith.constant 0 : i32
      %scan3A_58 = arith.constant 8 : i32
      %scan3A_59 = arith.addi %scan3A_57, %scan3A_58 : i32
      %scan3A_60 = arith.constant 1 : i32
      %scan3A_61 = scf.for %scan3A_64 = %scan3A_57 to %scan3A_59 step %scan3A_60 iter_args(%scan3A_65 = %scan3A_56) -> (i32)  : i32 {
        %mul3A_66 = arith.constant 16 : i32
        %mul3A_67 = arith.muli %scan3A_64, %mul3A_66 : i32
        %swap3A = arith.index_cast %scan3A_54 : i32 to index
        %swap3A_68 = arith.index_cast %mul3A_67 : i32 to index
        %swap3A_69 = tpu.vector_load %arg11[%swap3A, %swap3A_68] {strides = array<i32>} : memref<64x128xf32, #tpu.memory_space<vmem>>, vector<1x16xf32>,
        %swap3A_70 = vector.shape_cast %swap3A_69 : vector<1x16xf32> to vector<16xf32>
        %swap3A_71 = vector.shape_cast %broadcast_in_dim3A_18 : vector<16xf32> to vector<1x16xf32>
        tpu.vector_store %arg11[%swap3A, %swap3A_68], %swap3A_71 {strides = array<i32>} : memref<64x128xf32, #tpu.memory_space<vmem>>, vector<1x16xf32>,
        %scan3A_72 = arith.constant 0 : i32
        scf.yield %scan3A_72 : i32
      }
      %scan3A_62 = arith.constant 8 : i32
      %scan3A_63 = arith.constant 0 : i32
      scf.yield %scan3A_63 : i32
    }
    %scan3A_24 = arith.constant 64 : i32
    %scan3A_25 = arith.constant 0 : i32
    %scan3A_26 = arith.constant 0 : i32
    %scan3A_27 = arith.constant 10 : i32
    %scan3A_28 = arith.addi %scan3A_26, %scan3A_27 : i32
    %scan3A_29 = arith.constant 1 : i32
    %scan3A_30 = scf.for %scan3A_54 = %scan3A_26 to %scan3A_28 step %scan3A_29 iter_args(%scan3A_55 = %scan3A_25) -> (i32)  : i32 {
      %mul3A_56 = arith.constant 640 : i32
      %mul3A_57 = arith.muli %arg1, %mul3A_56 : i32
      %mul3A_58 = arith.constant 64 : i32
      %mul3A_59 = arith.muli %scan3A_54, %mul3A_58 : i32
      %add3A_60 = arith.addi %mul3A_57, %mul3A_59 : i32
      "tpu.region"() ({
        %run_scoped3A = tpu.sem_alloc : memref<!tpu.dma_semaphore, #tpu.memory_space<semaphore_mem>>
        %dma_start3A_62 = arith.constant 0 : i32
        %dma_start3A_63 = tpu.memref_slice %arg12[%add3A_60, %dma_start3A_62] : memref<10240x128xf32, #tpu.memory_space<vmem_shared>> -> memref<64x128xf32, #tpu.memory_space<vmem_shared>>
        %dma_start3A_64 = arith.constant 0 : i32
        %dma_start3A_65 = tpu.memref_slice %arg12[%add3A_60, %dma_start3A_64] : memref<10240x128xf32, #tpu.memory_space<vmem_shared>> -> memref<64x128xf32, #tpu.memory_space<vmem_shared>>
        tpu.enqueue_dma source(%arg11 : memref<64x128xf32, #tpu.memory_space<vmem>>) target(%dma_start3A_65 : memref<64x128xf32, #tpu.memory_space<vmem_shared>>) target_semaphore(%run_scoped3A : memref<!tpu.dma_semaphore, #tpu.memory_space<semaphore_mem>>)
        %dma_wait3A_66 = arith.constant 0 : i32
        %dma_wait3A_67 = tpu.memref_slice %arg12[%add3A_60, %dma_wait3A_66] : memref<10240x128xf32, #tpu.memory_space<vmem_shared>> -> memref<64x128xf32, #tpu.memory_space<vmem_shared>>
        %dma_wait3A_68 = arith.constant 0 : i32
        %dma_wait3A_69 = tpu.memref_slice %arg12[%add3A_60, %dma_wait3A_68] : memref<10240x128xf32, #tpu.memory_space<vmem_shared>> -> memref<64x128xf32, #tpu.memory_space<vmem_shared>>
        tpu.wait_dma2 semaphore(%run_scoped3A : memref<!tpu.dma_semaphore, #tpu.memory_space<semaphore_mem>>) src(%arg11 : memref<64x128xf32, #tpu.memory_space<vmem>>) dst(%dma_wait3A_69 : memref<64x128xf32, #tpu.memory_space<vmem_shared>>)
        tpu.yield
      }) : () -> ()
      %scan3A_61 = arith.constant 0 : i32
      scf.yield %scan3A_61 : i32
    }
    %scan3A_31 = arith.constant 10 : i32
    %barrier3A = arith.constant 0 : index
    tpu.barrier barrier_id(%barrier3A)
    %scan3A_32 = arith.constant 0 : i32
    %scan3A_33 = arith.constant 0 : i32
    %scan3A_34 = arith.constant 42 : i32
    %scan3A_35 = arith.addi %scan3A_33, %scan3A_34 : i32
    %scan3A_36 = arith.constant 1 : i32
    %scan3A_37 = scf.for %scan3A_54 = %scan3A_33 to %scan3A_35 step %scan3A_36 iter_args(%scan3A_55 = %scan3A_32) -> (i32)  : i32 {
      %mul3A_56 = arith.constant 3 : i32
      %mul3A_57 = arith.muli %scan3A_54, %mul3A_56 : i32
      %add3A_58 = arith.constant 0 : i32
      %add3A_59 = arith.addi %mul3A_57, %add3A_58 : i32
      %ge3A = arith.constant 1 : i32
      %ge3A_60 = arith.cmpi sge, %scan3A_54, %ge3A : i32
      %convert_element_type3A = arith.extui %ge3A_60 : i1 to i32
      %cond3A = arith.constant 0 : i32
      %cond3A_61 = arith.cmpi ne, %convert_element_type3A, %cond3A : i32
      scf.if %cond3A_61 {
        %dma_wait3A_119 = arith.constant 0 : i32
        %dma_wait3A_120 = arith.constant 0 : i32
        %dma_wait3A_121 = tpu.memref_slice %arg12[%dma_wait3A_119, %dma_wait3A_120] : memref<10240x128xf32, #tpu.memory_space<vmem_shared>> -> memref<10240x128xf32, #tpu.memory_space<vmem_shared>>
        tpu.wait_indirect_dma semaphore(%arg21 : memref<!tpu.dma_semaphore, #tpu.memory_space<semaphore_mem>>) src(%arg7 : memref<80x128xf32, #tpu.memory_space<vmem>>) dst(%dma_wait3A_121 : memref<10240x128xf32, #tpu.memory_space<vmem_shared>>)
      } else {
      }
      %add3A_62 = arith.constant 3 : i32
      %add3A_63 = arith.addi %add3A_59, %add3A_62 : i32
      %sub3A = arith.constant 1 : i32
      %sub3A_64 = arith.subi %add3A_63, %sub3A : i32
      %lt3A = arith.constant 125 : i32
      %lt3A_65 = arith.cmpi slt, %sub3A_64, %lt3A : i32
      %convert_element_type3A_66 = arith.extui %lt3A_65 : i1 to i32
      %cond3A_67 = arith.constant 0 : i32
      %cond3A_68 = arith.cmpi ne, %convert_element_type3A_66, %cond3A_67 : i32
      scf.if %cond3A_68 {
        %add3A_119 = arith.constant 3 : i32
        %add3A_120 = arith.addi %add3A_59, %add3A_119 : i32
        %sub3A_121 = arith.constant 1 : i32
        %sub3A_122 = arith.subi %add3A_120, %sub3A_121 : i32
        %mul3A_123 = arith.constant 80 : i32
        %mul3A_124 = arith.muli %sub3A_122, %mul3A_123 : i32
        %add3A_125 = arith.addi %mul3A_2, %mul3A_124 : i32
        %dma_start3A_126 = arith.constant 0 : i32
        %dma_start3A_127 = tpu.memref_slice %arg2[%add3A_125, %dma_start3A_126] : memref<320000x128xf32, #tpu.memory_space<hbm>> -> memref<80x128xf32, #tpu.memory_space<hbm>>
        %dma_start3A_128 = arith.constant 0 : i32
        %dma_start3A_129 = tpu.memref_slice %arg2[%add3A_125, %dma_start3A_128] : memref<320000x128xf32, #tpu.memory_space<hbm>> -> memref<80x128xf32, #tpu.memory_space<hbm>>
        tpu.enqueue_dma source(%dma_start3A_129 : memref<80x128xf32, #tpu.memory_space<hbm>>) target(%arg7 : memref<80x128xf32, #tpu.memory_space<vmem>>) target_semaphore(%arg15 : memref<!tpu.dma_semaphore, #tpu.memory_space<semaphore_mem>>)
        %dma_start3A_130 = tpu.memref_slice %arg3[%add3A_125] : memref<320000xi32, #tpu.memory_space<hbm>> -> memref<80xi32, #tpu.memory_space<hbm>>
        %dma_start3A_131 = tpu.memref_slice %arg3[%add3A_125] : memref<320000xi32, #tpu.memory_space<hbm>> -> memref<80xi32, #tpu.memory_space<hbm>>
        tpu.enqueue_dma source(%dma_start3A_131 : memref<80xi32, #tpu.memory_space<hbm>>) target(%arg10 : memref<80xi32, #tpu.memory_space<vmem>>) target_semaphore(%arg18 : memref<!tpu.dma_semaphore, #tpu.memory_space<semaphore_mem>>)
      } else {
      }
      %mul3A_69 = arith.constant 80 : i32
      %mul3A_70 = arith.muli %add3A_59, %mul3A_69 : i32
      %add3A_71 = arith.addi %mul3A_2, %mul3A_70 : i32
      %dma_wait3A_72 = arith.constant 0 : i32
      %dma_wait3A_73 = tpu.memref_slice %arg2[%add3A_71, %dma_wait3A_72] : memref<320000x128xf32, #tpu.memory_space<hbm>> -> memref<80x128xf32, #tpu.memory_space<hbm>>
      %dma_wait3A_74 = arith.constant 0 : i32
      %dma_wait3A_75 = tpu.memref_slice %arg2[%add3A_71, %dma_wait3A_74] : memref<320000x128xf32, #tpu.memory_space<hbm>> -> memref<80x128xf32, #tpu.memory_space<hbm>>
      tpu.wait_dma2 semaphore(%arg13 : memref<!tpu.dma_semaphore, #tpu.memory_space<semaphore_mem>>) src(%dma_wait3A_75 : memref<80x128xf32, #tpu.memory_space<hbm>>) dst(%arg5 : memref<80x128xf32, #tpu.memory_space<vmem>>)
      %dma_wait3A_76 = tpu.memref_slice %arg3[%add3A_71] : memref<320000xi32, #tpu.memory_space<hbm>> -> memref<80xi32, #tpu.memory_space<hbm>>
      %dma_wait3A_77 = tpu.memref_slice %arg3[%add3A_71] : memref<320000xi32, #tpu.memory_space<hbm>> -> memref<80xi32, #tpu.memory_space<hbm>>
      tpu.wait_dma2 semaphore(%arg16 : memref<!tpu.dma_semaphore, #tpu.memory_space<semaphore_mem>>) src(%dma_wait3A_77 : memref<80xi32, #tpu.memory_space<hbm>>) dst(%arg8 : memref<80xi32, #tpu.memory_space<vmem>>)
      %dma_start3A_78 = arith.constant 0 : i32
      %dma_start3A_79 = arith.constant 0 : i32
      %dma_start3A_80 = tpu.memref_slice %arg12[%dma_start3A_78, %dma_start3A_79] : memref<10240x128xf32, #tpu.memory_space<vmem_shared>> -> memref<10240x128xf32, #tpu.memory_space<vmem_shared>>
      tpu.enqueue_indirect_dma source(%arg5 : memref<80x128xf32, #tpu.memory_space<vmem>>) target(%dma_start3A_80 : memref<10240x128xf32, #tpu.memory_space<vmem_shared>>) offsets(%arg8 : memref<80xi32, #tpu.memory_space<vmem>>) semaphore(%arg19 : memref<!tpu.dma_semaphore, #tpu.memory_space<semaphore_mem>>) {add = true}
      %mul3A_81 = arith.constant 3 : i32
      %mul3A_82 = arith.muli %scan3A_54, %mul3A_81 : i32
      %add3A_83 = arith.constant 1 : i32
      %add3A_84 = arith.addi %mul3A_82, %add3A_83 : i32
      %dma_wait3A_85 = arith.constant 0 : i32
      %dma_wait3A_86 = arith.constant 0 : i32
      %dma_wait3A_87 = tpu.memref_slice %arg12[%dma_wait3A_85, %dma_wait3A_86] : memref<10240x128xf32, #tpu.memory_space<vmem_shared>> -> memref<10240x128xf32, #tpu.memory_space<vmem_shared>>
      tpu.wait_indirect_dma semaphore(%arg19 : memref<!tpu.dma_semaphore, #tpu.memory_space<semaphore_mem>>) src(%arg5 : memref<80x128xf32, #tpu.memory_space<vmem>>) dst(%dma_wait3A_87 : memref<10240x128xf32, #tpu.memory_space<vmem_shared>>)
      %add3A_88 = arith.constant 3 : i32
      %add3A_89 = arith.addi %add3A_84, %add3A_88 : i32
      %sub3A_90 = arith.constant 1 : i32
      %sub3A_91 = arith.subi %add3A_89, %sub3A_90 : i32
      %lt3A_92 = arith.constant 125 : i32
      %lt3A_93 = arith.cmpi slt, %sub3A_91, %lt3A_92 : i32
      %convert_element_type3A_94 = arith.extui %lt3A_93 : i1 to i32
      %cond3A_95 = arith.constant 0 : i32
      %cond3A_96 = arith.cmpi ne, %convert_element_type3A_94, %cond3A_95 : i32
      scf.if %cond3A_96 {
        %add3A_119 = arith.constant 3 : i32
        %add3A_120 = arith.addi %add3A_84, %add3A_119 : i32
        %sub3A_121 = arith.constant 1 : i32
        %sub3A_122 = arith.subi %add3A_120, %sub3A_121 : i32
        %mul3A_123 = arith.constant 80 : i32
        %mul3A_124 = arith.muli %sub3A_122, %mul3A_123 : i32
        %add3A_125 = arith.addi %mul3A_2, %mul3A_124 : i32
        %dma_start3A_126 = arith.constant 0 : i32
        %dma_start3A_127 = tpu.memref_slice %arg2[%add3A_125, %dma_start3A_126] : memref<320000x128xf32, #tpu.memory_space<hbm>> -> memref<80x128xf32, #tpu.memory_space<hbm>>
        %dma_start3A_128 = arith.constant 0 : i32
        %dma_start3A_129 = tpu.memref_slice %arg2[%add3A_125, %dma_start3A_128] : memref<320000x128xf32, #tpu.memory_space<hbm>> -> memref<80x128xf32, #tpu.memory_space<hbm>>
        tpu.enqueue_dma source(%dma_start3A_129 : memref<80x128xf32, #tpu.memory_space<hbm>>) target(%arg5 : memref<80x128xf32, #tpu.memory_space<vmem>>) target_semaphore(%arg13 : memref<!tpu.dma_semaphore, #tpu.memory_space<semaphore_mem>>)
        %dma_start3A_130 = tpu.memref_slice %arg3[%add3A_125] : memref<320000xi32, #tpu.memory_space<hbm>> -> memref<80xi32, #tpu.memory_space<hbm>>
        %dma_start3A_131 = tpu.memref_slice %arg3[%add3A_125] : memref<320000xi32, #tpu.memory_space<hbm>> -> memref<80xi32, #tpu.memory_space<hbm>>
        tpu.enqueue_dma source(%dma_start3A_131 : memref<80xi32, #tpu.memory_space<hbm>>) target(%arg8 : memref<80xi32, #tpu.memory_space<vmem>>) target_semaphore(%arg16 : memref<!tpu.dma_semaphore, #tpu.memory_space<semaphore_mem>>)
      } else {
      }
      %mul3A_97 = arith.constant 80 : i32
      %mul3A_98 = arith.muli %add3A_84, %mul3A_97 : i32
      %add3A_99 = arith.addi %mul3A_2, %mul3A_98 : i32
      %dma_wait3A_100 = arith.constant 0 : i32
      %dma_wait3A_101 = tpu.memref_slice %arg2[%add3A_99, %dma_wait3A_100] : memref<320000x128xf32, #tpu.memory_space<hbm>> -> memref<80x128xf32, #tpu.memory_space<hbm>>
      %dma_wait3A_102 = arith.constant 0 : i32
      %dma_wait3A_103 = tpu.memref_slice %arg2[%add3A_99, %dma_wait3A_102] : memref<320000x128xf32, #tpu.memory_space<hbm>> -> memref<80x128xf32, #tpu.memory_space<hbm>>
      tpu.wait_dma2 semaphore(%arg14 : memref<!tpu.dma_semaphore, #tpu.memory_space<semaphore_mem>>) src(%dma_wait3A_103 : memref<80x128xf32, #tpu.memory_space<hbm>>) dst(%arg6 : memref<80x128xf32, #tpu.memory_space<vmem>>)
      %dma_wait3A_104 = tpu.memref_slice %arg3[%add3A_99] : memref<320000xi32, #tpu.memory_space<hbm>> -> memref<80xi32, #tpu.memory_space<hbm>>
      %dma_wait3A_105 = tpu.memref_slice %arg3[%add3A_99] : memref<320000xi32, #tpu.memory_space<hbm>> -> memref<80xi32, #tpu.memory_space<hbm>>
      tpu.wait_dma2 semaphore(%arg17 : memref<!tpu.dma_semaphore, #tpu.memory_space<semaphore_mem>>) src(%dma_wait3A_105 : memref<80xi32, #tpu.memory_space<hbm>>) dst(%arg9 : memref<80xi32, #tpu.memory_space<vmem>>)
      %dma_start3A_106 = arith.constant 0 : i32
      %dma_start3A_107 = arith.constant 0 : i32
      %dma_start3A_108 = tpu.memref_slice %arg12[%dma_start3A_106, %dma_start3A_107] : memref<10240x128xf32, #tpu.memory_space<vmem_shared>> -> memref<10240x128xf32, #tpu.memory_space<vmem_shared>>
      tpu.enqueue_indirect_dma source(%arg6 : memref<80x128xf32, #tpu.memory_space<vmem>>) target(%dma_start3A_108 : memref<10240x128xf32, #tpu.memory_space<vmem_shared>>) offsets(%arg9 : memref<80xi32, #tpu.memory_space<vmem>>) semaphore(%arg20 : memref<!tpu.dma_semaphore, #tpu.memory_space<semaphore_mem>>) {add = true}
      %mul3A_109 = arith.constant 3 : i32
      %mul3A_110 = arith.muli %scan3A_54, %mul3A_109 : i32
      %add3A_111 = arith.constant 2 : i32
      %add3A_112 = arith.addi %mul3A_110, %add3A_111 : i32
      %lt3A_113 = arith.constant 125 : i32
      %lt3A_114 = arith.cmpi slt, %add3A_112, %lt3A_113 : i32
      %convert_element_type3A_115 = arith.extui %lt3A_114 : i1 to i32
      %cond3A_116 = arith.constant 0 : i32
      %cond3A_117 = arith.cmpi ne, %convert_element_type3A_115, %cond3A_116 : i32
      scf.if %cond3A_117 {
        %dma_wait3A_119 = arith.constant 0 : i32
        %dma_wait3A_120 = arith.constant 0 : i32
        %dma_wait3A_121 = tpu.memref_slice %arg12[%dma_wait3A_119, %dma_wait3A_120] : memref<10240x128xf32, #tpu.memory_space<vmem_shared>> -> memref<10240x128xf32, #tpu.memory_space<vmem_shared>>
        tpu.wait_indirect_dma semaphore(%arg20 : memref<!tpu.dma_semaphore, #tpu.memory_space<semaphore_mem>>) src(%arg6 : memref<80x128xf32, #tpu.memory_space<vmem>>) dst(%dma_wait3A_121 : memref<10240x128xf32, #tpu.memory_space<vmem_shared>>)
        %add3A_122 = arith.constant 3 : i32
        %add3A_123 = arith.addi %add3A_112, %add3A_122 : i32
        %sub3A_124 = arith.constant 1 : i32
        %sub3A_125 = arith.subi %add3A_123, %sub3A_124 : i32
        %lt3A_126 = arith.constant 125 : i32
        %lt3A_127 = arith.cmpi slt, %sub3A_125, %lt3A_126 : i32
        %convert_element_type3A_128 = arith.extui %lt3A_127 : i1 to i32
        %cond3A_129 = arith.constant 0 : i32
        %cond3A_130 = arith.cmpi ne, %convert_element_type3A_128, %cond3A_129 : i32
        scf.if %cond3A_130 {
          %add3A_143 = arith.constant 3 : i32
          %add3A_144 = arith.addi %add3A_112, %add3A_143 : i32
          %sub3A_145 = arith.constant 1 : i32
          %sub3A_146 = arith.subi %add3A_144, %sub3A_145 : i32
          %mul3A_147 = arith.constant 80 : i32
          %mul3A_148 = arith.muli %sub3A_146, %mul3A_147 : i32
          %add3A_149 = arith.addi %mul3A_2, %mul3A_148 : i32
          %dma_start3A_150 = arith.constant 0 : i32
          %dma_start3A_151 = tpu.memref_slice %arg2[%add3A_149, %dma_start3A_150] : memref<320000x128xf32, #tpu.memory_space<hbm>> -> memref<80x128xf32, #tpu.memory_space<hbm>>
          %dma_start3A_152 = arith.constant 0 : i32
          %dma_start3A_153 = tpu.memref_slice %arg2[%add3A_149, %dma_start3A_152] : memref<320000x128xf32, #tpu.memory_space<hbm>> -> memref<80x128xf32, #tpu.memory_space<hbm>>
          tpu.enqueue_dma source(%dma_start3A_153 : memref<80x128xf32, #tpu.memory_space<hbm>>) target(%arg6 : memref<80x128xf32, #tpu.memory_space<vmem>>) target_semaphore(%arg14 : memref<!tpu.dma_semaphore, #tpu.memory_space<semaphore_mem>>)
          %dma_start3A_154 = tpu.memref_slice %arg3[%add3A_149] : memref<320000xi32, #tpu.memory_space<hbm>> -> memref<80xi32, #tpu.memory_space<hbm>>
          %dma_start3A_155 = tpu.memref_slice %arg3[%add3A_149] : memref<320000xi32, #tpu.memory_space<hbm>> -> memref<80xi32, #tpu.memory_space<hbm>>
          tpu.enqueue_dma source(%dma_start3A_155 : memref<80xi32, #tpu.memory_space<hbm>>) target(%arg9 : memref<80xi32, #tpu.memory_space<vmem>>) target_semaphore(%arg17 : memref<!tpu.dma_semaphore, #tpu.memory_space<semaphore_mem>>)
        } else {
        }
        %mul3A_131 = arith.constant 80 : i32
        %mul3A_132 = arith.muli %add3A_112, %mul3A_131 : i32
        %add3A_133 = arith.addi %mul3A_2, %mul3A_132 : i32
        %dma_wait3A_134 = arith.constant 0 : i32
        %dma_wait3A_135 = tpu.memref_slice %arg2[%add3A_133, %dma_wait3A_134] : memref<320000x128xf32, #tpu.memory_space<hbm>> -> memref<80x128xf32, #tpu.memory_space<hbm>>
        %dma_wait3A_136 = arith.constant 0 : i32
        %dma_wait3A_137 = tpu.memref_slice %arg2[%add3A_133, %dma_wait3A_136] : memref<320000x128xf32, #tpu.memory_space<hbm>> -> memref<80x128xf32, #tpu.memory_space<hbm>>
        tpu.wait_dma2 semaphore(%arg15 : memref<!tpu.dma_semaphore, #tpu.memory_space<semaphore_mem>>) src(%dma_wait3A_137 : memref<80x128xf32, #tpu.memory_space<hbm>>) dst(%arg7 : memref<80x128xf32, #tpu.memory_space<vmem>>)
        %dma_wait3A_138 = tpu.memref_slice %arg3[%add3A_133] : memref<320000xi32, #tpu.memory_space<hbm>> -> memref<80xi32, #tpu.memory_space<hbm>>
        %dma_wait3A_139 = tpu.memref_slice %arg3[%add3A_133] : memref<320000xi32, #tpu.memory_space<hbm>> -> memref<80xi32, #tpu.memory_space<hbm>>
        tpu.wait_dma2 semaphore(%arg18 : memref<!tpu.dma_semaphore, #tpu.memory_space<semaphore_mem>>) src(%dma_wait3A_139 : memref<80xi32, #tpu.memory_space<hbm>>) dst(%arg10 : memref<80xi32, #tpu.memory_space<vmem>>)
        %dma_start3A_140 = arith.constant 0 : i32
        %dma_start3A_141 = arith.constant 0 : i32
        %dma_start3A_142 = tpu.memref_slice %arg12[%dma_start3A_140, %dma_start3A_141] : memref<10240x128xf32, #tpu.memory_space<vmem_shared>> -> memref<10240x128xf32, #tpu.memory_space<vmem_shared>>
        tpu.enqueue_indirect_dma source(%arg7 : memref<80x128xf32, #tpu.memory_space<vmem>>) target(%dma_start3A_142 : memref<10240x128xf32, #tpu.memory_space<vmem_shared>>) offsets(%arg10 : memref<80xi32, #tpu.memory_space<vmem>>) semaphore(%arg21 : memref<!tpu.dma_semaphore, #tpu.memory_space<semaphore_mem>>) {add = true}
      } else {
      }
      %scan3A_118 = arith.constant 0 : i32
      scf.yield %scan3A_118 : i32
    }
    %scan3A_38 = arith.constant 42 : i32
    %dma_wait3A = arith.constant 0 : i32
    %dma_wait3A_39 = arith.constant 0 : i32
    %dma_wait3A_40 = tpu.memref_slice %arg12[%dma_wait3A, %dma_wait3A_39] : memref<10240x128xf32, #tpu.memory_space<vmem_shared>> -> memref<10240x128xf32, #tpu.memory_space<vmem_shared>>
    tpu.wait_indirect_dma semaphore(%arg20 : memref<!tpu.dma_semaphore, #tpu.memory_space<semaphore_mem>>) src(%arg6 : memref<80x128xf32, #tpu.memory_space<vmem>>) dst(%dma_wait3A_40 : memref<10240x128xf32, #tpu.memory_space<vmem_shared>>)
    %barrier3A_41 = arith.constant 0 : index
    tpu.barrier barrier_id(%barrier3A_41)
    %mul3A_42 = arith.constant 10240 : i32
    %mul3A_43 = arith.muli %arg0, %mul3A_42 : i32
    %mul3A_44 = arith.constant 640 : i32
    %mul3A_45 = arith.muli %arg1, %mul3A_44 : i32
    %add3A_46 = arith.addi %mul3A_43, %mul3A_45 : i32
    %scan3A_47 = arith.constant 0 : i32
    %scan3A_48 = arith.constant 0 : i32
    %scan3A_49 = arith.constant 10 : i32
    %scan3A_50 = arith.addi %scan3A_48, %scan3A_49 : i32
    %scan3A_51 = arith.constant 1 : i32
    %scan3A_52 = scf.for %scan3A_54 = %scan3A_48 to %scan3A_50 step %scan3A_51 iter_args(%scan3A_55 = %scan3A_47) -> (i32)  : i32 {
      %mul3A_56 = arith.constant 640 : i32
      %mul3A_57 = arith.muli %arg1, %mul3A_56 : i32
      %mul3A_58 = arith.constant 64 : i32
      %mul3A_59 = arith.muli %scan3A_54, %mul3A_58 : i32
      %add3A_60 = arith.addi %mul3A_57, %mul3A_59 : i32
      "tpu.region"() ({
        %run_scoped3A = tpu.sem_alloc : memref<!tpu.dma_semaphore, #tpu.memory_space<semaphore_mem>>
        %dma_start3A_65 = arith.constant 0 : i32
        %dma_start3A_66 = tpu.memref_slice %arg12[%add3A_60, %dma_start3A_65] : memref<10240x128xf32, #tpu.memory_space<vmem_shared>> -> memref<64x128xf32, #tpu.memory_space<vmem_shared>>
        %dma_start3A_67 = arith.constant 0 : i32
        %dma_start3A_68 = tpu.memref_slice %arg12[%add3A_60, %dma_start3A_67] : memref<10240x128xf32, #tpu.memory_space<vmem_shared>> -> memref<64x128xf32, #tpu.memory_space<vmem_shared>>
        tpu.enqueue_dma source(%dma_start3A_68 : memref<64x128xf32, #tpu.memory_space<vmem_shared>>) target(%arg11 : memref<64x128xf32, #tpu.memory_space<vmem>>) target_semaphore(%run_scoped3A : memref<!tpu.dma_semaphore, #tpu.memory_space<semaphore_mem>>)
        %dma_wait3A_69 = arith.constant 0 : i32
        %dma_wait3A_70 = tpu.memref_slice %arg12[%add3A_60, %dma_wait3A_69] : memref<10240x128xf32, #tpu.memory_space<vmem_shared>> -> memref<64x128xf32, #tpu.memory_space<vmem_shared>>
        %dma_wait3A_71 = arith.constant 0 : i32
        %dma_wait3A_72 = tpu.memref_slice %arg12[%add3A_60, %dma_wait3A_71] : memref<10240x128xf32, #tpu.memory_space<vmem_shared>> -> memref<64x128xf32, #tpu.memory_space<vmem_shared>>
        tpu.wait_dma2 semaphore(%run_scoped3A : memref<!tpu.dma_semaphore, #tpu.memory_space<semaphore_mem>>) src(%dma_wait3A_72 : memref<64x128xf32, #tpu.memory_space<vmem_shared>>) dst(%arg11 : memref<64x128xf32, #tpu.memory_space<vmem>>)
        tpu.yield
      }) : () -> ()
      %mul3A_61 = arith.constant 64 : i32
      %mul3A_62 = arith.muli %scan3A_54, %mul3A_61 : i32
      %add3A_63 = arith.addi %add3A_46, %mul3A_62 : i32
      "tpu.region"() ({
        %run_scoped3A = tpu.sem_alloc : memref<!tpu.dma_semaphore, #tpu.memory_space<semaphore_mem>>
        %dma_start3A_65 = arith.constant 0 : i32
        %dma_start3A_66 = tpu.memref_slice %arg4[%add3A_63, %dma_start3A_65] : memref<20480x128xf32, #tpu.memory_space<hbm>> -> memref<64x128xf32, #tpu.memory_space<hbm>>
        %dma_start3A_67 = arith.constant 0 : i32
        %dma_start3A_68 = tpu.memref_slice %arg4[%add3A_63, %dma_start3A_67] : memref<20480x128xf32, #tpu.memory_space<hbm>> -> memref<64x128xf32, #tpu.memory_space<hbm>>
        tpu.enqueue_dma source(%arg11 : memref<64x128xf32, #tpu.memory_space<vmem>>) target(%dma_start3A_68 : memref<64x128xf32, #tpu.memory_space<hbm>>) target_semaphore(%run_scoped3A : memref<!tpu.dma_semaphore, #tpu.memory_space<semaphore_mem>>)
        %dma_wait3A_69 = arith.constant 0 : i32
        %dma_wait3A_70 = tpu.memref_slice %arg4[%add3A_63, %dma_wait3A_69] : memref<20480x128xf32, #tpu.memory_space<hbm>> -> memref<64x128xf32, #tpu.memory_space<hbm>>
        %dma_wait3A_71 = arith.constant 0 : i32
        %dma_wait3A_72 = tpu.memref_slice %arg4[%add3A_63, %dma_wait3A_71] : memref<20480x128xf32, #tpu.memory_space<hbm>> -> memref<64x128xf32, #tpu.memory_space<hbm>>
        tpu.wait_dma2 semaphore(%run_scoped3A : memref<!tpu.dma_semaphore, #tpu.memory_space<semaphore_mem>>) src(%arg11 : memref<64x128xf32, #tpu.memory_space<vmem>>) dst(%dma_wait3A_72 : memref<64x128xf32, #tpu.memory_space<hbm>>)
        tpu.yield
      }) : () -> ()
      %scan3A_64 = arith.constant 0 : i32
      scf.yield %scan3A_64 : i32
    }
    %scan3A_53 = arith.constant 10 : i32
    return
  }
}

module attributes {stable_mosaic.version = 14 : i64} {
  func.func @_combine_body(%arg0: i32, %arg1: memref<2x1024x128xf32, #tpu.memory_space<vmem>>, %arg2: memref<1024x1xf32, #tpu.memory_space<vmem>>, %arg3: memref<1024x128xf32, #tpu.memory_space<vmem>>) attributes {dimension_semantics = [#tpu.dimension_semantics<arbitrary>], iteration_bounds = array<i64: 10>, scalar_prefetch = 0 : i64, scratch_operands = 0 : i64, tpu.core_type = #tpu.core_type<tc>, window_params = [{transform_indices = @transform_0, window_bounds = array<i64: 2, 1024, 128>}, {transform_indices = @transform_1, window_bounds = array<i64: 1024, 1>}, {transform_indices = @transform_2, window_bounds = array<i64: 1024, 128>}]} {
    %get3A = arith.constant 0 : index
    %get3A_0 = arith.constant 0 : index
    %get3A_1 = arith.constant 0 : index
    %get3A_2 = vector.load %arg1[%get3A, %get3A_0, %get3A_1] : memref<2x1024x128xf32, #tpu.memory_space<vmem>>, vector<1x1024x128xf32>
    %get3A_3 = vector.shape_cast %get3A_2 : vector<1x1024x128xf32> to vector<1024x128xf32>
    %get3A_4 = arith.constant 1 : index
    %get3A_5 = arith.constant 0 : index
    %get3A_6 = arith.constant 0 : index
    %get3A_7 = vector.load %arg1[%get3A_4, %get3A_5, %get3A_6] : memref<2x1024x128xf32, #tpu.memory_space<vmem>>, vector<1x1024x128xf32>
    %get3A_8 = vector.shape_cast %get3A_7 : vector<1x1024x128xf32> to vector<1024x128xf32>
    %add3A = arith.addf %get3A_3, %get3A_8 : vector<1024x128xf32>
    %get3A_9 = arith.constant 0 : index
    %get3A_10 = arith.constant 0 : index
    %get3A_11 = vector.load %arg2[%get3A_9, %get3A_10] : memref<1024x1xf32, #tpu.memory_space<vmem>>, vector<1024x1xf32>
    %max3A = arith.constant 1.000000e+00 : f32
    %max3A_12 = vector.broadcast %max3A : f32 to vector<1024x1xf32>
    %max3A_13 = arith.maximumf %get3A_11, %max3A_12 : vector<1024x1xf32>
    %div3A = vector.broadcast %max3A_13 : vector<1024x1xf32> to vector<1024x128xf32>
    %div3A_14 = arith.divf %add3A, %div3A : vector<1024x128xf32>
    %swap3A = arith.constant 0 : index
    %swap3A_15 = arith.constant 0 : index
    %swap3A_16 = vector.load %arg3[%swap3A, %swap3A_15] : memref<1024x128xf32, #tpu.memory_space<vmem>>, vector<1024x128xf32>
    tpu.vector_store %arg3[%swap3A, %swap3A_15], %div3A_14 {strides = array<i32>} : memref<1024x128xf32, #tpu.memory_space<vmem>>, vector<1024x128xf32>,
    return
  }
  func.func @transform_0(%arg0: i32) -> (i32, i32, i32) {
    %c0_i32 = arith.constant 0 : i32
    %c0_i32_0 = arith.constant 0 : i32
    %c0_i32_1 = arith.constant 0 : i32
    return %c0_i32, %arg0, %c0_i32_0 : i32, i32, i32
  }
  func.func @transform_1(%arg0: i32) -> (i32, i32) {
    %c0_i32 = arith.constant 0 : i32
    %c0_i32_0 = arith.constant 0 : i32
    return %arg0, %c0_i32 : i32, i32
  }
  func.func @transform_2(%arg0: i32) -> (i32, i32) {
    %c0_i32 = arith.constant 0 : i32
    %c0_i32_0 = arith.constant 0 : i32
    return %arg0, %c0_i32 : i32, i32
  }
}

module attributes {stable_mosaic.version = 14 : i64} {
  func.func @_hist_body(%arg0: i32, %arg1: memref<2000x1xi32, #tpu.memory_space<vmem>>, %arg2: memref<128x128xf32, #tpu.memory_space<vmem>>) attributes {dimension_semantics = [#tpu.dimension_semantics<arbitrary>], iteration_bounds = array<i64: 160>, scalar_prefetch = 0 : i64, scratch_operands = 0 : i64, tpu.core_type = #tpu.core_type<tc>, window_params = [{transform_indices = @transform_0, window_bounds = array<i64: 2000, 1>}, {pipeline_mode = #tpu.pipeline_mode<synchronous>, transform_indices = @transform_1, window_bounds = array<i64: 128, 128>}]} {
    %eq3A = arith.constant 0 : i32
    %eq3A_0 = arith.cmpi eq, %arg0, %eq3A : i32
    %convert_element_type3A = arith.extui %eq3A_0 : i1 to i32
    %cond3A = arith.constant 0 : i32
    %cond3A_1 = arith.cmpi ne, %convert_element_type3A, %cond3A : i32
    scf.if %cond3A_1 {
      %broadcast_in_dim3A = arith.constant 0.000000e+00 : f32
      %broadcast_in_dim3A_48 = vector.broadcast %broadcast_in_dim3A : f32 to vector<128x128xf32>
      %swap3A_49 = arith.constant 0 : index
      %swap3A_50 = arith.constant 0 : index
      %swap3A_51 = vector.load %arg2[%swap3A_49, %swap3A_50] : memref<128x128xf32, #tpu.memory_space<vmem>>, vector<128x128xf32>
      tpu.vector_store %arg2[%swap3A_49, %swap3A_50], %broadcast_in_dim3A_48 {strides = array<i32>} : memref<128x128xf32, #tpu.memory_space<vmem>>, vector<128x128xf32>,
    } else {
    }
    %get3A = arith.constant 0 : index
    %get3A_2 = arith.constant 0 : index
    %get3A_3 = vector.load %arg1[%get3A, %get3A_2] : memref<2000x1xi32, #tpu.memory_space<vmem>>, vector<2000x1xi32>
    %iota3A = tpu.iota {dimensions = array<i32: 1>} : vector<1x128xi32>
    %jit3A = arith.constant 128 : i32
    %div3A = vector.broadcast %jit3A : i32 to vector<2000x1xi32>
    %div3A_4 = arith.divsi %get3A_3, %div3A : vector<2000x1xi32>
    %sign3A = arith.constant 0 : i32
    %sign3A_5 = vector.broadcast %sign3A : i32 to vector<2000x1xi32>
    %sign3A_6 = arith.cmpi sgt, %get3A_3, %sign3A_5 : vector<2000x1xi32>
    %sign3A_7 = arith.extui %sign3A_6 : vector<2000x1xi1> to vector<2000x1xi32>
    %sign3A_8 = arith.constant 0 : i32
    %sign3A_9 = vector.broadcast %sign3A_8 : i32 to vector<2000x1xi32>
    %sign3A_10 = arith.cmpi slt, %get3A_3, %sign3A_9 : vector<2000x1xi32>
    %sign3A_11 = arith.extui %sign3A_10 : vector<2000x1xi1> to vector<2000x1xi32>
    %sign3A_12 = arith.subi %sign3A_7, %sign3A_11 : vector<2000x1xi32>
    %sign3A_13 = arith.constant 0 : i32
    %sign3A_14 = arith.cmpi sgt, %jit3A, %sign3A_13 : i32
    %sign3A_15 = arith.extui %sign3A_14 : i1 to i32
    %sign3A_16 = arith.constant 0 : i32
    %sign3A_17 = arith.cmpi slt, %jit3A, %sign3A_16 : i32
    %sign3A_18 = arith.extui %sign3A_17 : i1 to i32
    %sign3A_19 = arith.subi %sign3A_15, %sign3A_18 : i32
    %ne3A = vector.broadcast %sign3A_19 : i32 to vector<2000x1xi32>
    %ne3A_20 = arith.cmpi ne, %sign3A_12, %ne3A : vector<2000x1xi32>
    %rem3A = vector.broadcast %jit3A : i32 to vector<2000x1xi32>
    %rem3A_21 = arith.remsi %get3A_3, %rem3A : vector<2000x1xi32>
    %ne3A_22 = arith.constant 0 : i32
    %ne3A_23 = vector.broadcast %ne3A_22 : i32 to vector<2000x1xi32>
    %ne3A_24 = arith.cmpi ne, %rem3A_21, %ne3A_23 : vector<2000x1xi32>
    %and3A = arith.andi %ne3A_20, %ne3A_24 : vector<2000x1xi1>
    %sub3A = arith.constant 1 : i32
    %sub3A_25 = vector.broadcast %sub3A : i32 to vector<2000x1xi32>
    %sub3A_26 = arith.subi %div3A_4, %sub3A_25 : vector<2000x1xi32>
    %select_n3A = arith.select %and3A, %sub3A_26, %div3A_4 : vector<2000x1xi1>, vector<2000x1xi32>
    %mul3A = arith.constant 128 : i32
    %mul3A_27 = vector.broadcast %mul3A : i32 to vector<2000x1xi32>
    %mul3A_28 = arith.muli %select_n3A, %mul3A_27 : vector<2000x1xi32>
    %sub3A_29 = arith.subi %get3A_3, %mul3A_28 : vector<2000x1xi32>
    %eq3A_30 = vector.broadcast %select_n3A : vector<2000x1xi32> to vector<2000x128xi32>
    %eq3A_31 = vector.broadcast %iota3A : vector<1x128xi32> to vector<2000x128xi32>
    %eq3A_32 = arith.cmpi eq, %eq3A_30, %eq3A_31 : vector<2000x128xi32>
    %convert_element_type3A_33 = arith.extui %eq3A_32 : vector<2000x128xi1> to vector<2000x128xi32>
    %convert_element_type3A_34 = arith.sitofp %convert_element_type3A_33 : vector<2000x128xi32> to vector<2000x128xf32>
    %convert_element_type3A_35 = arith.truncf %convert_element_type3A_34 : vector<2000x128xf32> to vector<2000x128xbf16>
    %eq3A_36 = vector.broadcast %sub3A_29 : vector<2000x1xi32> to vector<2000x128xi32>
    %eq3A_37 = vector.broadcast %iota3A : vector<1x128xi32> to vector<2000x128xi32>
    %eq3A_38 = arith.cmpi eq, %eq3A_36, %eq3A_37 : vector<2000x128xi32>
    %convert_element_type3A_39 = arith.extui %eq3A_38 : vector<2000x128xi1> to vector<2000x128xi32>
    %convert_element_type3A_40 = arith.sitofp %convert_element_type3A_39 : vector<2000x128xi32> to vector<2000x128xf32>
    %convert_element_type3A_41 = arith.truncf %convert_element_type3A_40 : vector<2000x128xf32> to vector<2000x128xbf16>
    %get3A_42 = arith.constant 0 : index
    %get3A_43 = arith.constant 0 : index
    %get3A_44 = vector.load %arg2[%get3A_42, %get3A_43] : memref<128x128xf32, #tpu.memory_space<vmem>>, vector<128x128xf32>
    %dot_general3A = arith.constant dense<0.000000e+00> : vector<128x128xf32>
    %dot_general3A_45 = tpu.matmul %convert_element_type3A_35, %convert_element_type3A_41, %dot_general3A {dimension_numbers = #tpu.dot_dimension_numbers<[0], [0], [1], [1], [0, 1, 1, 1], [], []>, transpose_lhs_hint = false} : vector<2000x128xbf16>, vector<2000x128xbf16>, vector<128x128xf32> -> vector<128x128xf32>
    %add3A = arith.addf %get3A_44, %dot_general3A_45 : vector<128x128xf32>
    %swap3A = arith.constant 0 : index
    %swap3A_46 = arith.constant 0 : index
    %swap3A_47 = vector.load %arg2[%swap3A, %swap3A_46] : memref<128x128xf32, #tpu.memory_space<vmem>>, vector<128x128xf32>
    tpu.vector_store %arg2[%swap3A, %swap3A_46], %add3A {strides = array<i32>} : memref<128x128xf32, #tpu.memory_space<vmem>>, vector<128x128xf32>,
    return
  }
  func.func @transform_0(%arg0: i32) -> (i32, i32) {
    %c0_i32 = arith.constant 0 : i32
    %c0_i32_0 = arith.constant 0 : i32
    return %arg0, %c0_i32 : i32, i32
  }
  func.func @transform_1(%arg0: i32) -> (i32, i32) {
    %c0_i32 = arith.constant 0 : i32
    %c0_i32_0 = arith.constant 0 : i32
    %c0_i32_1 = arith.constant 0 : i32
    return %c0_i32, %c0_i32_0 : i32, i32
  }
}

</mosaic_0001>

<sc_bundles>
// kernel: kernel.5.cloned.1.call-start
scs
__scs_entry_jumppad:
0x0: {  	(pc) =	sbr.rel $0x88, $3  }
0x1: {  	(tag) =	ssettag $0x0;
	lr =	simm.s32 $0x1  }
0x2: {  	[smem:$0x3F9F] =	sst lr;
	_ =	strace $0xD0000000  }
0x3: {  	_ = 	snop  }
0x4: {  	_ = 	snop  }
0x5: {  	_ = 	snop  }
0x6: {  	_ = 	snop  }
0x7: {  	_ = 	snop  }
__scs_overlays_trampoline_lowered:
0x8: {  	[smem:$0x3FAE] =	sst s0  }
0x9: {  	[smem:$0x3FAF] =	sst s1  }
0xa: {  	[smem:$0x3FB0] =	sst s2  }
0xb: {  	[smem:$0x3FB1] =	sst s3  }
0xc: {  	[smem:$0x3FB2] =	sst s4  }
0xd: {  	[smem:$0x3FB3] =	sst s5  }
0xe: {  	[smem:$0x3FB4] =	sst s6  }
0xf: {  	[smem:$0x3FB5] =	sst s7  }
0x10: {  	[smem:$0x3FB6] =	sst s8  }
0x11: {  	[smem:$0x3FB7] =	sst s9;
	s0 =	simm.s32 @!p0 $0x0  }
0x12: {  	s1 =	sld [smem:$0x3F9D];
	s0 =	simm.s32 @p0 $0x1  }
0x13: {  	[smem:$0x3FB8] =	sst s0;
	s0 =	simm.s32 @!p1 $0x0  }
0x14: {  	s2 =	sld [smem:$0x3F9C];
	s0 =	simm.s32 @p1 $0x1  }
0x15: {  	[smem:$0x3FB9] =	sst s0;
	s0 =	simm.s32 @!p2 $0x0  }
0x16: {  	s3 =	sld [smem:$0x3FDB];
	s0 =	simm.s32 @p2 $0x1  }
0x17: {  	s4 =	simm.s32 $0x1BF5;
	[smem:$0x3FBB] =	sst s0  }
0x18: {  	s0 =	sld [smem:$0x3F9E];
	_ =	swait.ge [sflag:s4], $0x0  }
0x19: {  	s7 =	sld [smem:$0x3F9F]  }
0x1a: {  	s8 =	sadd.s32 $0xFFFFE003, lr  }
0x1b: {  	s9 =	sadd.s32 $0xFFFFFEF7, lr;
	s5 =	simm.s32 $0xFFFFFFFF;
	p2 =	slt.u32 s8, $0xFFFFF086  }
0x1c: {  	p1 =	slt.u32 s9, $0xF7A;
	s5 =	simm.s32 @!p2 $0x0  }
0x1d: {  	s5 =	simm.s32 @p1 $0x1;
	p0 =	seq.s32 s7, s2  }
0x1e: {  	s7 =	smul.u32 @!p0 $0xF7A, s2;
	p2 =	seq.s32 @!p0 s5, $0x0  }
0x1f: {  	s9 =	smul.u32 $0xF7A, s1;
	s8 =	simm.s32 @!p0 $0x1BF5;
	p2 =	por !p2, p0  }
0x20: {  	[sflag:s8] =	ssyncset.s32 @!p0 $0xFFFFF086;
	s6 =	sadd.s32 @!p0 s3, s7;
	s7 =	simm.s32 @!p0 $0x108  }
0x21: {  	s3 =	sadd.s32 s3, s9;
	s6 =	sadd.s32 @!p0 $0x88, s6;
	s7 =	simm.s32 @p2 $0x1082  }
0x22: {  	[simem:s7], [sflag:s8] =	dma.local @!p0 [hbm:s6], $0xF7A  }
0x23: {  	s9 =	sor.u32 $0xD0000000, s2;
	s6 =	simm.s32 $0x108;
	_ =	swait.ge @!p0 [sflag:s8], $0x0  }
0x24: {  	s3 =	sadd.s32 $0x88, s3;
	s6 =	simm.s32 @!p1 $0x1082;
	[sflag:s4] =	ssyncset.s32 $0xFFFFF086  }
0x25: {  	[simem:s6], [sflag:s4] =	dma.local [hbm:s3], $0xF7A  }
0x26: {  	[smem:$0x3F9F] =	sst s1;
	(tag) =	ssettag s2;
	_ =	strace s9  }
0x27: {  	s1 =	sld [smem:$0x3FAF]  }
0x28: {  	s2 =	sld [smem:$0x3FB0]  }
0x29: {  	s4 =	sld [smem:$0x3FB2]  }
0x2a: {  	p0 =	seq.s32 s5, $0x0;
	s5 =	sld [smem:$0x3FB3]  }
0x2b: {  	s6 =	sld [smem:$0x3FB4]  }
0x2c: {  	s7 =	sld [smem:$0x3FB5]  }
0x2d: {  	s3 =	simm.s32 $0x108;
	s8 =	sld [smem:$0x3FB6]  }
0x2e: {  	s3 =	simm.s32 @!p0 $0x1082;
	s9 =	sld [smem:$0x3FB7]  }
0x2f: {  	lr =	sadd.s32 s0, s3;
	s0 =	sld [smem:$0x3FAE]  }
0x30: {  	s3 =	sld [smem:$0x3FB1]  }
0x31: {  	[smem:$0x3FBA] =	sst s10  }
0x32: {  	s10 =	sld [smem:$0x3FB8];
	_ =	sdelay $0x3  }
0x33: {  	p0 =	seq.s32 s10, $0x1;
	s10 =	sld [smem:$0x3FBA];
	_ =	sdelay $0x3  }
0x34: {  	[smem:$0x3FBA] =	sst s10  }
0x35: {  	s10 =	sld [smem:$0x3FB9];
	_ =	sdelay $0x3  }
0x36: {  	p1 =	seq.s32 s10, $0x1;
	s10 =	sld [smem:$0x3FBA];
	_ =	sdelay $0x3  }
0x37: {  	[smem:$0x3FBA] =	sst s10  }
0x38: {  	s10 =	sld [smem:$0x3FBB]  }
0x39: {  	_ = 	snop;
	(pc) =	sbr.ind lr, $3  }
0x3a: {  	_ = 	snop  }
0x3b: {  	_ = 	snop  }
0x3c: {  	p2 =	seq.s32 s10, $0x1;
	s10 =	sld [smem:$0x3FBA]  }
0x3d: {  	_ =	shalt  }
0x3e: {  	_ =	shalt  }
0x3f: {  	_ =	shalt  }
0x40: {  	_ =	shalt  }
0x41: {  	_ =	shalt  }
0x42: {  	_ =	shalt  }
0x43: {  	_ =	shalt  }
0x44: {  	_ =	shalt  }
0x45: {  	_ =	shalt  }
0x46: {  	_ =	shalt  }
0x47: {  	_ =	shalt  }
0x48: {  	_ =	shalt  }
0x49: {  	_ =	shalt  }
0x4a: {  	_ =	shalt  }
0x4b: {  	_ =	shalt  }
0x4c: {  	_ =	shalt  }
0x4d: {  	_ =	shalt  }
0x4e: {  	_ =	shalt  }
0x4f: {  	_ =	shalt  }
0x50: {  	_ =	shalt  }
0x51: {  	_ =	shalt  }
0x52: {  	_ =	shalt  }
0x53: {  	_ =	shalt  }
0x54: {  	_ =	shalt  }
0x55: {  	_ =	shalt  }
0x56: {  	_ =	shalt  }
0x57: {  	_ =	shalt  }
0x58: {  	_ =	shalt  }
0x59: {  	_ =	shalt  }
0x5a: {  	_ =	shalt  }
0x5b: {  	_ =	shalt  }
0x5c: {  	_ =	shalt  }
0x5d: {  	_ =	shalt  }
0x5e: {  	_ =	shalt  }
0x5f: {  	_ =	shalt  }
0x60: {  	_ =	shalt  }
0x61: {  	_ =	shalt  }
0x62: {  	_ =	shalt  }
0x63: {  	_ =	shalt  }
0x64: {  	_ =	shalt  }
0x65: {  	_ =	shalt  }
0x66: {  	_ =	shalt  }
0x67: {  	_ =	shalt  }
0x68: {  	_ =	shalt  }
0x69: {  	_ =	shalt  }
0x6a: {  	_ =	shalt  }
0x6b: {  	_ =	shalt  }
0x6c: {  	_ =	shalt  }
0x6d: {  	_ =	shalt  }
0x6e: {  	_ =	shalt  }
0x6f: {  	_ =	shalt  }
0x70: {  	_ =	shalt  }
0x71: {  	_ =	shalt  }
0x72: {  	_ =	shalt  }
0x73: {  	_ =	shalt  }
0x74: {  	_ =	shalt  }
0x75: {  	_ =	shalt  }
0x76: {  	_ =	shalt  }
0x77: {  	_ =	shalt  }
0x78: {  	_ =	shalt  }
0x79: {  	_ =	shalt  }
0x7a: {  	_ =	shalt  }
0x7b: {  	_ =	shalt  }
0x7c: {  	_ =	shalt  }
0x7d: {  	_ =	shalt  }
0x7e: {  	_ =	shalt  }
0x7f: {  	_ =	shalt  }
0x80: {  	_ =	shalt  }
0x81: {  	_ =	shalt  }
0x82: {  	_ =	shalt  }
0x83: {  	_ =	shalt  }
0x84: {  	_ =	shalt  }
0x85: {  	_ =	shalt  }
0x86: {  	_ =	shalt  }
0x87: {  	_ =	shalt  }
.Lfunc_end0:
.L_simem_size_0:
called_computation_lowered:
.L_overlay_start_0:
0x88: {  	s2 =	sld [smem:$0x3FD9]  }
0x89: {  	s3 =	sld [smem:$0x3FFE];
	_ =	sdelay $0x1  }
0x8a: {  	s1 =	srdreg.scid  }
0x8b: {  	s0 =	sand.u32 $0x1, s1  }
0x8c: {  	s17 =	sshll.u32 s0, $0xA;
	s2 =	sadd.s32 s3, s2  }
0x8d: {  	s2 =	sadd.s32 s2, s17  }
0x8e: {  	[smem:$0x3FC6] =	sst s2  }
0x8f: {  	_ = 	snop  }
0x90: {  	s2 =	sld [smem:$0x3FC9]  }
0x91: {  	s18 =	sld [smem:$0x3FC8];
	(tm) =	ssettm $0x1  }
0x92: {  	s4 =	sld [smem:$0x3FFB];
	_ =	sdelay $0x3  }
0x93: {  	_ =	strace s4  }
0x94: {  	s4 =	sld [smem:$0x3FFC];
	_ =	sdelay $0x3  }
0x95: {  	_ =	strace s4  }
0x96: {  	s4 =	sld [smem:$0x3FFD];
	_ =	sdelay $0x3  }
0x97: {  	_ =	strace s4  }
0x98: {  	_ =	strace $0x8FFFFFFF  }
0x99: {  	s19 =	sld [smem:$0x3FDB];
	_ =	sdelay $0x1  }
0x9a: {  	s5 =	simm.s32 $_scs_section_size  }
0x9b: {  	s6 =	simm.s32 $_size__tile_overlayer_lowered;
	s7 =	simm.s32 $_tile_overlayer_lowered  }
0x9c: {  	s22 =	simm.s32 $0x1BFF;
	s21 =	sshll.u32 s7, $0x1;
	s4 =	sadd.s32 s5, s19  }
0x9d: {  	s8 =	simm.s32 $0x0;
	s20 =	sshll.u32 s6, $0x1;
	s6 =	sadd.s32 s21, s4  }
0x9e: {  	[timem:s8], [sflag:s22] =	dma.local [hbm:s6], s20  }
0x9f: {  	_ =	swait.ge [sflag:s22], s20  }
0xa0: {  	s5 =	ssub.s32 $0x0, s20;
	[sflag:s22] =	ssyncset.done $0x0  }
0xa1: {  	[sflag:s22] =	ssyncadd.s32 s5;
	_ =	sdelay $0x1  }
0xa2: {  	s23 =	simm.s32 $0x1B8B  }
0xa3: {  	_ =	swait.ge [sflag:s23], $0x1  }
0xa4: {  	[sflag:s23] =	ssyncset.done $0x0  }
0xa5: {  	s25 =	simm.s32 $0x1B8E;
	s24 =	sld [smem:$0x3FFE];
	[sflag:s23] =	ssyncadd.s32 $0xFFFFFFFF  }
0xa6: {  	s26 =	simm.s32 $execute0_lowered;
	[smem:$0x3FD2] =	sst s25  }
0xa7: {  	s6 =	sshll.u32 s26, $0x1;
	_ =	strace $0x80000046;
	[dreg:$0x1] =	wrdreg $0xFFFFFFFF  }
0xa8: {  	s28 =	simm.s32 $_size_execute0_lowered;
	s4 =	sadd.s32 s4, s6;
	[dreg:$0x0] =	wrdreg $0x0  }
0xa9: {  	s6 =	sshll.u32 s28, $0x1;
	[dreg:$0x2] =	wrdreg s4  }
0xaa: {  	[dreg:$0x3] =	wrdreg s6  }
0xab: {  	[dreg:$0x4] =	wrdreg $0xC0  }
0xac: {  	_ =	task [dreg:s8], $0x5FFFF  }
0xad: {  	[dreg:$0x1] =	wrdreg $0xFFFFFFFF  }
0xae: {  	[dreg:$0x0] =	wrdreg $0x60  }
0xaf: {  	[dreg:$0x2] =	wrdreg s2  }
0xb0: {  	[dreg:$0x3] =	wrdreg s18  }
0xb1: {  	[dreg:$0x4] =	wrdreg s24  }
0xb2: {  	[dreg:$0x5] =	wrdreg $0x99800  }
0xb3: {  	[dreg:$0x6] =	wrdreg $0x9  }
0xb4: {  	_ =	task.clear_ibuf [dreg:s8], $0x7FFFF;
	_ =	strace $0x90000046  }
0xb5: {  	s29 =	simm.s32 $0x9;
	_ =	strace $0x80000048  }
0xb6: {  	_ =	swait.ge [sflag:s29], $0x1  }
0xb7: {  	[sflag:s29] =	ssyncadd.s32 $0xFFFFFFFF  }
0xb8: {  	_ =	strace $0x90000048  }
0xb9: {  	_ =	sfence  }
0xba: {  	s30 =	sld [smem:$0x0];
	_ =	sdelay $0x2  }
0xbb: {  	s31 =	sshll.u32 s1, $0xD;
	s1 =	sshrl.u32 s1, $0x2  }
0xbc: {  	s3 =	sand.u32 $0x4000, s31;
	s1 =	sadd.s32 s1, s30  }
0xbd: {  	s0 =	sor.u32 s3, s0;
	s1 =	sshll.u32 s1, $0x11  }
0xbe: {  	s0 =	sor.u32 s1, s0  }
0xbf: {  	s0 =	sadd.s32 $0x8F2B, s0  }
0xc0: {  	[sflag:s0] =	ssyncadd.remote.s32 $0x1  }
0xc1: {  	_ =	sfence.sel $0xFFFF  }
0xc2: {  	[dreg:$0x0] =	wrdreg $0xFFFFFFFF;
	(pc) =	sbr.abs _section_cstart, $3  }
0xc3: {  	[dreg:$0x1] =	wrdreg $0xFFFFFFFF  }
0xc4: {  	_ =	task.clear_ibuf [dreg:s8], $0x2FFFF;
	_ =	strace $0x9FFFFFFF  }
0xc5: {  	(tm) =	ssettm $0x7FFFFFFF  }
tec
execute0_lowered:
.L_overlay_start_1:
0x0: {  	(tag) =	ssettag $0x1  }
0x1: {  	s0 =	rddreg [dreg:$0x0];
	s11 =	stileid.u32  }
0x2: {  	s1 =	rddreg [dreg:$0x1];
	s7 =	smul.u32 $0x280, s11  }
0x3: {  	s4 =	srdreg.scid;
	s23 =	smul.u32 $0x50000, s11  }
0x4: {  	s3 =	rddreg [dreg:$0x2];
	s5 =	sand.u32 $0x1, s4;
	s14 =	smul.u32 $0x27100, s11  }
0x5: {  	s2 =	rddreg [dreg:$0x3];
	s4 =	simm.s32 $0x0;
	s6 =	smul.u32 $0x2800, s5  }
0x6: {  	[smem:$0x7FF] =	sst s4;
	s29 =	smul.u32 $0x271000, s5  }
0x7: {  	s8 =	sshll.u32 s5, $0x4;
	s18 =	ssub.s32 $0x2, s5;
	s5 =	smul.u32 $0x27100, s5  }
0x8: {  	_ =	strace $0x80000047;
	s8 =	sor.u32 s11, s8;
	s9 =	sshrl.u32 s18, $0x1  }
0x9: {  	s28 =	sshrl.u32 s23, $0x2;
	s6 =	sadd.s32 s7, s6;
	s10 =	smul.u32 $0x2710, s8  }
0xa: {  	s19 =	ssub.s32 s18, s9;
	s20 =	smul.u32 $0x27100, s8;
	s9 =	sadd.s32 s28, s2  }
0xb: {  	s8 =	simm.s32 $0xA;
	s6 =	sshll.u32 s6, $0x4;
	s28 =	sadd.s32 $0xA000, s9  }
0xc: {  	s3 =	sadd.s32 s6, s3;
	s7 =	sadd.s32 s0, s20;
	[dreg:$0x18] =	wrdreg s28  }
0xd: {  	s21 =	sshrl.u32 s10, $0x3;
	s6 =	smax.u32 s19, $0x1;
	[dreg:$0x5] =	wrdreg s7  }
0xe: {  	s22 =	sadd.s32 $0x50, s10;
	s10 =	sadd.s32 $0x6000, s9;
	[dreg:$0x9] =	wrdreg s6  }
0xf: {  	s13 =	sadd.s32 $0x2000, s9;
	s24 =	sadd.s32 s1, s21;
	[dreg:$0xa] =	wrdreg s10  }
0x10: {  	s30 =	sadd.s32 $0xE000, s9;
	s12 =	sadd.s32 $0x800, s3;
	[dreg:$0x6] =	wrdreg s24  }
0x11: {  	s31 =	sadd.s32 $0x10000, s9;
	s15 =	sadd.s32 $0xC00, s3;
	[dreg:$0xb] =	wrdreg s12  }
0x12: {  	s19 =	smul.u32 $0x2710, s11;
	s16 =	sadd.s32 $0x1000, s3;
	[dreg:$0xc] =	wrdreg s15  }
0x13: {  	s25 =	sshll.u32 s22, $0x4;
	s17 =	sadd.s32 $0x1400, s3;
	[dreg:$0xd] =	wrdreg s16  }
0x14: {  	s26 =	sshrl.u32 s22, $0x3;
	s18 =	sadd.s32 $0x1800, s3;
	[dreg:$0xe] =	wrdreg s17  }
0x15: {  	s20 =	sadd.s32 $0x1C00, s3;
	s21 =	sadd.s32 $0x2000, s3;
	[dreg:$0xf] =	wrdreg s18  }
0x16: {  	s22 =	sadd.s32 $0x2400, s3;
	s23 =	sadd.s32 $0x2800, s3;
	[dreg:$0x10] =	wrdreg s20  }
0x17: {  	s3 =	sadd.s32 $0x2C00, s3;
	s6 =	simm.s32 $0x7880;
	[dreg:$0x11] =	wrdreg s21  }
0x18: {  	s10 =	simm.s32 $0x1;
	s7 =	sadd.s32 s0, s25;
	[dreg:$0x12] =	wrdreg s22  }
0x19: {  	s25 =	sadd.s32 $0x4000, s9;
	s0 =	sadd.s32 s29, s0;
	[dreg:$0x13] =	wrdreg s23  }
0x1a: {  	s5 =	sadd.s32 s19, s5;
	[dreg:$0x14] =	wrdreg s3;
	s29 =	sadd.s32 $0xC000, s9  }
0x1b: {  	s3 =	simm.s32 $0x7800;
	s15 =	simm.s32 $0x50;
	s16 =	simm.s32 $0x7  }
0x1c: {  	s17 =	simm.s32 $0x2;
	s18 =	simm.s32 $0x5;
	s19 =	simm.s32 $0x8  }
0x1d: {  	s20 =	simm.s32 $0x5000;
	s21 =	simm.s32 $0x7900;
	s22 =	simm.s32 $0x3  }
0x1e: {  	s23 =	simm.s32 $0x6;
	[dreg:$0x7] =	wrdreg s7;
	s7 =	sadd.s32 s1, s26  }
.Ltmp0:
0x1f: {  	s0 =	sadd.s32 s14, s0;
	[dreg:$0x19] =	wrdreg s29;
	(pc) =	sbr.rel .LBB2_1-.Ltmp0, $4  }
0x20: {  	s24 =	sadd.s32 $0x140, s5;
	s26 =	sadd.s32 $0x8000, s9;
	[dreg:$0x8] =	wrdreg s7  }
0x21: {  	s5 =	simm.s32 $0x2800;
	s14 =	simm.s32 $0x4;
	[dreg:$0x16] =	wrdreg s24  }
0x22: {  	s0 =	sadd.s32 $0x1400, s0;
	[dreg:$0x17] =	wrdreg s26;
	s7 =	simm.s32 $0x7980  }
0x23: {  	v0 =	vimm.f32 $0.0e+00;
	s24 =	simm.s32 $0x0;
	[dreg:$0x15] =	wrdreg s0;
	s0 =	sadd.s32 $0x12000, s9  }
.LBB2_6:
0x24: {  	_ =	swait.ge [sflag:s10], $0x2800  }
0x25: {  	[sflag:s10] =	ssyncset.done $0x0  }
0x26: {  	[sflag:s10] =	ssyncadd.s32 $0xFFFFD800  }
0x27: {  	_ =	swait.ge [sflag:s14], $0x50  }
0x28: {  	[sflag:s14] =	ssyncset.done $0x0  }
0x29: {  	[sflag:s14] =	ssyncadd.s32 $0xFFFFFFB0  }
0x2a: {  	[spmem:s2] =	stream.indirect.scatter.add.f32 [tilespmem:s4], [sflag:$0x7], $0x80, s3, s15, $0xb8;
	[tilespmem:$0x1D980] =	vst v63  }
0x2b: {  	_ =	swait.ge [sflag:s16], $0x2800  }
0x2c: {  	[sflag:s16] =	ssyncset.done $0x0  }
0x2d: {  	[sflag:s16] =	ssyncadd.s32 $0xFFFFD800  }
0x2e: {  	_ =	swait.ge [sflag:s17], $0x2800  }
0x2f: {  	[sflag:s17] =	ssyncset.done $0x0  }
0x30: {  	[sflag:s17] =	ssyncadd.s32 $0xFFFFD800  }
0x31: {  	_ =	swait.ge [sflag:s18], $0x50  }
0x32: {  	[sflag:s18] =	ssyncset.done $0x0  }
0x33: {  	[sflag:s18] =	ssyncadd.s32 $0xFFFFFFB0  }
0x34: {  	[spmem:s2] =	stream.indirect.scatter.add.f32 [tilespmem:s5], [sflag:$0x8], $0x80, s6, s15, $0xb8;
	[tilespmem:$0x1D980] =	vst v63  }
0x35: {  	_ =	swait.ge [sflag:s19], $0x2800  }
0x36: {  	[sflag:s19] =	ssyncset.done $0x0  }
0x37: {  	[sflag:s19] =	ssyncadd.s32 $0xFFFFD800  }
0x38: {  	[bflag:$0x0] =	sbarrier.arrive $0xFFFF  }
0x39: {  	[tilespmem:s7], [sflag:$0xA] =	stream.linear.gather [spmem:s9], $0x2000, $0x38;
	[tilespmem:$0x1D980] =	vst v63  }
0x3a: {  	_ =	swait.ge [sflag:s8], $0x2000  }
0x3b: {  	[sflag:s8] =	ssyncset.done $0x0  }
0x3c: {  	s11 =	rddreg [dreg:$0xb];
	[sflag:s8] =	ssyncadd.s32 $0xFFFFE000  }
0x3d: {  	[hbm4b:s11+s4] =	stream.linear.scatter [tilespmem:s7], [sflag:$0xA], $0x2000, $0x38;
	[tilespmem:$0x1D980] =	vst v63  }
0x3e: {  	_ =	swait.ge [sflag:s8], $0x2000  }
0x3f: {  	[sflag:s8] =	ssyncset.done $0x0  }
0x40: {  	[sflag:s8] =	ssyncadd.s32 $0xFFFFE000  }
0x41: {  	[tilespmem:s7], [sflag:$0xA] =	stream.linear.gather [spmem:s28], $0x2000, $0x38;
	[tilespmem:$0x1D980] =	vst v63  }
0x42: {  	_ =	swait.ge [sflag:s8], $0x2000  }
0x43: {  	[sflag:s8] =	ssyncset.done $0x0  }
0x44: {  	s13 =	smov.u32 s28;
	s28 =	rddreg [dreg:$0xc];
	[sflag:s8] =	ssyncadd.s32 $0xFFFFE000  }
0x45: {  	[hbm4b:s28+s4] =	stream.linear.scatter [tilespmem:s7], [sflag:$0xA], $0x2000, $0x38;
	[tilespmem:$0x1D980] =	vst v63  }
0x46: {  	_ =	swait.ge [sflag:s8], $0x2000  }
0x47: {  	[sflag:s8] =	ssyncset.done $0x0  }
0x48: {  	[sflag:s8] =	ssyncadd.s32 $0xFFFFE000  }
0x49: {  	[tilespmem:s7], [sflag:$0xA] =	stream.linear.gather [spmem:s29], $0x2000, $0x38;
	[tilespmem:$0x1D980] =	vst v63  }
0x4a: {  	_ =	swait.ge [sflag:s8], $0x2000  }
0x4b: {  	[sflag:s8] =	ssyncset.done $0x0  }
0x4c: {  	s25 =	smov.u32 s29;
	s29 =	rddreg [dreg:$0xd];
	[sflag:s8] =	ssyncadd.s32 $0xFFFFE000  }
0x4d: {  	[hbm4b:s29+s4] =	stream.linear.scatter [tilespmem:s7], [sflag:$0xA], $0x2000, $0x38;
	[tilespmem:$0x1D980] =	vst v63  }
0x4e: {  	_ =	swait.ge [sflag:s8], $0x2000  }
0x4f: {  	[sflag:s8] =	ssyncset.done $0x0  }
0x50: {  	s12 =	rddreg [dreg:$0xa];
	[sflag:s8] =	ssyncadd.s32 $0xFFFFE000  }
0x51: {  	[tilespmem:s7], [sflag:$0xA] =	stream.linear.gather [spmem:s12], $0x2000, $0x38;
	[tilespmem:$0x1D980] =	vst v63  }
0x52: {  	_ =	swait.ge [sflag:s8], $0x2000  }
0x53: {  	[sflag:s8] =	ssyncset.done $0x0  }
0x54: {  	s26 =	rddreg [dreg:$0xe];
	[sflag:s8] =	ssyncadd.s32 $0xFFFFE000  }
0x55: {  	[hbm4b:s26+s4] =	stream.linear.scatter [tilespmem:s7], [sflag:$0xA], $0x2000, $0x38;
	[tilespmem:$0x1D980] =	vst v63  }
0x56: {  	_ =	swait.ge [sflag:s8], $0x2000  }
0x57: {  	[sflag:s8] =	ssyncset.done $0x0  }
0x58: {  	s28 =	rddreg [dreg:$0x17];
	[sflag:s8] =	ssyncadd.s32 $0xFFFFE000  }
0x59: {  	[tilespmem:s7], [sflag:$0xA] =	stream.linear.gather [spmem:s28], $0x2000, $0x38;
	[tilespmem:$0x1D980] =	vst v63  }
0x5a: {  	_ =	swait.ge [sflag:s8], $0x2000  }
0x5b: {  	[sflag:s8] =	ssyncset.done $0x0  }
0x5c: {  	s29 =	rddreg [dreg:$0xf];
	[sflag:s8] =	ssyncadd.s32 $0xFFFFE000  }
0x5d: {  	[hbm4b:s29+s4] =	stream.linear.scatter [tilespmem:s7], [sflag:$0xA], $0x2000, $0x38;
	[tilespmem:$0x1D980] =	vst v63  }
0x5e: {  	_ =	swait.ge [sflag:s8], $0x2000  }
0x5f: {  	[sflag:s8] =	ssyncset.done $0x0  }
0x60: {  	s12 =	rddreg [dreg:$0x18];
	[sflag:s8] =	ssyncadd.s32 $0xFFFFE000  }
0x61: {  	[tilespmem:s7], [sflag:$0xA] =	stream.linear.gather [spmem:s12], $0x2000, $0x38;
	[tilespmem:$0x1D980] =	vst v63  }
0x62: {  	_ =	swait.ge [sflag:s8], $0x2000  }
0x63: {  	[sflag:s8] =	ssyncset.done $0x0  }
0x64: {  	s26 =	rddreg [dreg:$0x10];
	[sflag:s8] =	ssyncadd.s32 $0xFFFFE000  }
0x65: {  	[hbm4b:s26+s4] =	stream.linear.scatter [tilespmem:s7], [sflag:$0xA], $0x2000, $0x38;
	[tilespmem:$0x1D980] =	vst v63  }
0x66: {  	_ =	swait.ge [sflag:s8], $0x2000  }
0x67: {  	[sflag:s8] =	ssyncset.done $0x0  }
0x68: {  	s28 =	rddreg [dreg:$0x19];
	[sflag:s8] =	ssyncadd.s32 $0xFFFFE000  }
0x69: {  	[tilespmem:s7], [sflag:$0xA] =	stream.linear.gather [spmem:s28], $0x2000, $0x38;
	[tilespmem:$0x1D980] =	vst v63  }
0x6a: {  	_ =	swait.ge [sflag:s8], $0x2000  }
0x6b: {  	[sflag:s8] =	ssyncset.done $0x0  }
0x6c: {  	s29 =	rddreg [dreg:$0x11];
	[sflag:s8] =	ssyncadd.s32 $0xFFFFE000  }
0x6d: {  	[hbm4b:s29+s4] =	stream.linear.scatter [tilespmem:s7], [sflag:$0xA], $0x2000, $0x38;
	[tilespmem:$0x1D980] =	vst v63  }
0x6e: {  	_ =	swait.ge [sflag:s8], $0x2000  }
0x6f: {  	[sflag:s8] =	ssyncset.done $0x0  }
0x70: {  	[sflag:s8] =	ssyncadd.s32 $0xFFFFE000  }
0x71: {  	[tilespmem:s7], [sflag:$0xA] =	stream.linear.gather [spmem:s30], $0x2000, $0x38;
	[tilespmem:$0x1D980] =	vst v63  }
0x72: {  	_ =	swait.ge [sflag:s8], $0x2000  }
0x73: {  	[sflag:s8] =	ssyncset.done $0x0  }
0x74: {  	s12 =	rddreg [dreg:$0x12];
	[sflag:s8] =	ssyncadd.s32 $0xFFFFE000  }
0x75: {  	[hbm4b:s12+s4] =	stream.linear.scatter [tilespmem:s7], [sflag:$0xA], $0x2000, $0x38;
	[tilespmem:$0x1D980] =	vst v63  }
0x76: {  	_ =	swait.ge [sflag:s8], $0x2000  }
0x77: {  	[sflag:s8] =	ssyncset.done $0x0  }
0x78: {  	[sflag:s8] =	ssyncadd.s32 $0xFFFFE000  }
0x79: {  	[tilespmem:s7], [sflag:$0xA] =	stream.linear.gather [spmem:s31], $0x2000, $0x38;
	[tilespmem:$0x1D980] =	vst v63  }
0x7a: {  	_ =	swait.ge [sflag:s8], $0x2000  }
0x7b: {  	[sflag:s8] =	ssyncset.done $0x0  }
0x7c: {  	s26 =	rddreg [dreg:$0x13];
	[sflag:s8] =	ssyncadd.s32 $0xFFFFE000  }
0x7d: {  	[hbm4b:s26+s4] =	stream.linear.scatter [tilespmem:s7], [sflag:$0xA], $0x2000, $0x38;
	[tilespmem:$0x1D980] =	vst v63  }
0x7e: {  	_ =	swait.ge [sflag:s8], $0x2000  }
0x7f: {  	[sflag:s8] =	ssyncset.done $0x0  }
0x80: {  	[sflag:s8] =	ssyncadd.s32 $0xFFFFE000  }
0x81: {  	[tilespmem:s7], [sflag:$0xA] =	stream.linear.gather [spmem:s0], $0x2000, $0x38;
	[tilespmem:$0x1D980] =	vst v63  }
0x82: {  	_ =	swait.ge [sflag:s8], $0x2000  }
0x83: {  	[sflag:s8] =	ssyncset.done $0x0  }
0x84: {  	s28 =	rddreg [dreg:$0x14];
	[sflag:s8] =	ssyncadd.s32 $0xFFFFE000  }
0x85: {  	[hbm4b:s28+s4] =	stream.linear.scatter [tilespmem:s7], [sflag:$0xA], $0x2000, $0x38;
	[tilespmem:$0x1D980] =	vst v63  }
0x86: {  	_ =	swait.ge [sflag:s8], $0x2000  }
0x87: {  	s24 =	sadd.s32 $0x1, s24;
	s29 =	rddreg [dreg:$0x9]  }
0x88: {  	p0 =	sne.s32 s24, s29  }
.Ltmp1:
0x89: {  	_ = 	snop;
	(pc) =	sbr.rel @!p0 .LBB2_7-.Ltmp1, $3  }
0x8a: {  	_ =	sdelay $0x1  }
0x8b: {  	[sflag:s8] =	ssyncset.done $0x0  }
0x8c: {  	[sflag:s8] =	ssyncadd.s32 $0xFFFFE000  }
.LBB2_1:
0x8d: {  	s11 =	rddreg [dreg:$0x5]  }
0x8e: {  	[tilespmem:s4], [sflag:$0x1] =	stream.linear.gather [hbm4b:s11+s4], $0x2800, $0x38;
	[tilespmem:$0x1D980] =	vst v63  }
0x8f: {  	s26 =	rddreg [dreg:$0x6]  }
0x90: {  	[tilespmem:s3], [sflag:$0x4] =	stream.linear.gather [hbm4b:s26+s4], $0x50, $0x38;
	[tilespmem:$0x1D980] =	vst v63  }
0x91: {  	s28 =	rddreg [dreg:$0x7]  }
0x92: {  	[tilespmem:s5], [sflag:$0x2] =	stream.linear.gather [hbm4b:s28+s4], $0x2800, $0x38;
	[tilespmem:$0x1D980] =	vst v63  }
0x93: {  	s29 =	rddreg [dreg:$0x8];
	s12 =	simm.s32 $0x200;
	s11 =	simm.s32 $0x0  }
0x94: {  	[tilespmem:s6], [sflag:$0x5] =	stream.linear.gather [hbm4b:s29+s4], $0x50, $0x38;
	[tilespmem:$0x1D980] =	vst v63  }
.LBB2_2:
0x95: {  	p0 =	sne.s32 s12, $0x7E00;
	[tilespmem:s11+$0x79F0] =	vst v0  }
0x96: {  	[tilespmem:s11+$0x7980] =	vst v0  }
0x97: {  	[tilespmem:s11+$0x7990] =	vst v0  }
.Ltmp2:
0x98: {  	[tilespmem:s11+$0x79A0] =	vst v0;
	(pc) =	sbr.rel @p0 .LBB2_2-.Ltmp2, $4  }
0x99: {  	[tilespmem:s11+$0x79B0] =	vst v0  }
0x9a: {  	[tilespmem:s11+$0x79C0] =	vst v0  }
0x9b: {  	[tilespmem:s11+$0x79D0] =	vst v0  }
0x9c: {  	[tilespmem:s11+$0x79E0] =	vst v0;
	s11 =	sshra.s32 s12, $0x2;
	s12 =	sadd.s32 $0x200, s12  }
0x9d: {  	[tilespmem:s11+$0x79F0] =	vst v0  }
0x9e: {  	[tilespmem:s11+$0x7980] =	vst v0  }
0x9f: {  	[tilespmem:s11+$0x7990] =	vst v0  }
0xa0: {  	[tilespmem:s11+$0x79A0] =	vst v0  }
0xa1: {  	[tilespmem:s11+$0x79B0] =	vst v0  }
0xa2: {  	[tilespmem:s11+$0x79C0] =	vst v0  }
0xa3: {  	[tilespmem:s11+$0x79D0] =	vst v0  }
0xa4: {  	[tilespmem:s11+$0x79E0] =	vst v0  }
0xa5: {  	[spmem:s9] =	stream.linear.scatter [tilespmem:s7], [sflag:$0xA], $0x2000, $0x38;
	[tilespmem:$0x1D980] =	vst v63  }
0xa6: {  	_ =	swait.ge [sflag:s8], $0x2000  }
0xa7: {  	[sflag:s8] =	ssyncset.done $0x0  }
0xa8: {  	[sflag:s8] =	ssyncadd.s32 $0xFFFFE000  }
0xa9: {  	[spmem:s13] =	stream.linear.scatter [tilespmem:s7], [sflag:$0xA], $0x2000, $0x38;
	[tilespmem:$0x1D980] =	vst v63  }
0xaa: {  	_ =	swait.ge [sflag:s8], $0x2000  }
0xab: {  	[sflag:s8] =	ssyncset.done $0x0  }
0xac: {  	[sflag:s8] =	ssyncadd.s32 $0xFFFFE000  }
0xad: {  	[spmem:s25] =	stream.linear.scatter [tilespmem:s7], [sflag:$0xA], $0x2000, $0x38;
	[tilespmem:$0x1D980] =	vst v63  }
0xae: {  	_ =	swait.ge [sflag:s8], $0x2000  }
0xaf: {  	[sflag:s8] =	ssyncset.done $0x0  }
0xb0: {  	s12 =	rddreg [dreg:$0xa];
	[sflag:s8] =	ssyncadd.s32 $0xFFFFE000  }
0xb1: {  	[spmem:s12] =	stream.linear.scatter [tilespmem:s7], [sflag:$0xA], $0x2000, $0x38;
	[tilespmem:$0x1D980] =	vst v63  }
0xb2: {  	_ =	swait.ge [sflag:s8], $0x2000  }
0xb3: {  	[sflag:s8] =	ssyncset.done $0x0  }
0xb4: {  	s28 =	smov.u32 s13;
	s13 =	rddreg [dreg:$0x17];
	[sflag:s8] =	ssyncadd.s32 $0xFFFFE000  }
0xb5: {  	[spmem:s13] =	stream.linear.scatter [tilespmem:s7], [sflag:$0xA], $0x2000, $0x38;
	[tilespmem:$0x1D980] =	vst v63  }
0xb6: {  	_ =	swait.ge [sflag:s8], $0x2000  }
0xb7: {  	[sflag:s8] =	ssyncset.done $0x0  }
0xb8: {  	s29 =	smov.u32 s25;
	s25 =	rddreg [dreg:$0x18];
	[sflag:s8] =	ssyncadd.s32 $0xFFFFE000  }
0xb9: {  	[spmem:s25] =	stream.linear.scatter [tilespmem:s7], [sflag:$0xA], $0x2000, $0x38;
	[tilespmem:$0x1D980] =	vst v63  }
0xba: {  	_ =	swait.ge [sflag:s8], $0x2000  }
0xbb: {  	[sflag:s8] =	ssyncset.done $0x0  }
0xbc: {  	s26 =	rddreg [dreg:$0x19];
	[sflag:s8] =	ssyncadd.s32 $0xFFFFE000  }
0xbd: {  	[spmem:s26] =	stream.linear.scatter [tilespmem:s7], [sflag:$0xA], $0x2000, $0x38;
	[tilespmem:$0x1D980] =	vst v63  }
0xbe: {  	_ =	swait.ge [sflag:s8], $0x2000  }
0xbf: {  	[sflag:s8] =	ssyncset.done $0x0  }
0xc0: {  	[sflag:s8] =	ssyncadd.s32 $0xFFFFE000  }
0xc1: {  	[spmem:s30] =	stream.linear.scatter [tilespmem:s7], [sflag:$0xA], $0x2000, $0x38;
	[tilespmem:$0x1D980] =	vst v63  }
0xc2: {  	_ =	swait.ge [sflag:s8], $0x2000  }
0xc3: {  	[sflag:s8] =	ssyncset.done $0x0  }
0xc4: {  	[sflag:s8] =	ssyncadd.s32 $0xFFFFE000  }
0xc5: {  	[spmem:s31] =	stream.linear.scatter [tilespmem:s7], [sflag:$0xA], $0x2000, $0x38;
	[tilespmem:$0x1D980] =	vst v63  }
0xc6: {  	_ =	swait.ge [sflag:s8], $0x2000  }
0xc7: {  	[sflag:s8] =	ssyncset.done $0x0  }
0xc8: {  	[sflag:s8] =	ssyncadd.s32 $0xFFFFE000  }
0xc9: {  	[spmem:s0] =	stream.linear.scatter [tilespmem:s7], [sflag:$0xA], $0x2000, $0x38;
	[tilespmem:$0x1D980] =	vst v63  }
0xca: {  	_ =	swait.ge [sflag:s8], $0x2000  }
0xcb: {  	[sflag:s8] =	ssyncset.done $0x0  }
0xcc: {  	[sflag:s8] =	ssyncadd.s32 $0xFFFFE000  }
0xcd: {  	[bflag:$0x0] =	sbarrier.arrive $0xFFFF  }
0xce: {  	s11 =	rddreg [dreg:$0x16]  }
0xcf: {  	s25 =	simm.s32 $0x29;
	s12 =	rddreg [dreg:$0x15]  }
.LBB2_4:
0xd0: {  	p0 =	seq.s32 s25, $0x29  }
0xd1: {  	p1 =	seq.s32 @!p0 s25, $0x0  }
0xd2: {  	p1 =	por p0, !p1  }
.Ltmp3:
0xd3: {  	_ = 	snop;
	(pc) =	sbr.rel @!p1 .LBB2_6-.Ltmp3, $4  }
0xd4: {  	s13 =	simm.s32 @!p0 $0x9  }
0xd5: {  	_ =	swait.ge @!p0 [sflag:s13], $0x2800  }
0xd6: {  	[sflag:s13] =	ssyncset.done @!p0 $0x0  }
0xd7: {  	[sflag:s13] =	ssyncadd.s32 @!p0 $0xFFFFD800  }
0xd8: {  	s13 =	sadd.s32 $0xFFFFFF60, s11;
	s26 =	sadd.s32 $0xFFFFF600, s12  }
0xd9: {  	[tilespmem:s20], [sflag:$0x3] =	stream.linear.gather [hbm4b:s26+s4], $0x2800, $0x38;
	[tilespmem:$0x1D980] =	vst v63  }
0xda: {  	s13 =	sshrl.u32 s13, $0x3  }
0xdb: {  	s13 =	sadd.s32 s1, s13  }
0xdc: {  	[tilespmem:s21], [sflag:$0x6] =	stream.linear.gather [hbm4b:s13+s4], $0x50, $0x38;
	[tilespmem:$0x1D980] =	vst v63  }
0xdd: {  	_ =	swait.ge [sflag:s10], $0x2800  }
0xde: {  	[sflag:s10] =	ssyncset.done $0x0  }
0xdf: {  	[sflag:s10] =	ssyncadd.s32 $0xFFFFD800  }
0xe0: {  	_ =	swait.ge [sflag:s14], $0x50  }
0xe1: {  	[sflag:s14] =	ssyncset.done $0x0  }
0xe2: {  	[sflag:s14] =	ssyncadd.s32 $0xFFFFFFB0  }
0xe3: {  	[spmem:s2] =	stream.indirect.scatter.add.f32 [tilespmem:s4], [sflag:$0x7], $0x80, s3, s15, $0xb8;
	[tilespmem:$0x1D980] =	vst v63  }
0xe4: {  	_ =	swait.ge [sflag:s16], $0x2800  }
0xe5: {  	s13 =	sadd.s32 $0xFFFFFFB0, s11;
	[sflag:s16] =	ssyncset.done $0x0  }
0xe6: {  	s26 =	sadd.s32 $0xFFFFFB00, s12;
	s13 =	sshrl.u32 s13, $0x3;
	[sflag:s16] =	ssyncadd.s32 $0xFFFFD800  }
0xe7: {  	[tilespmem:s4], [sflag:$0x1] =	stream.linear.gather [hbm4b:s26+s4], $0x2800, $0x38;
	[tilespmem:$0x1D980] =	vst v63  }
0xe8: {  	s13 =	sadd.s32 s1, s13  }
0xe9: {  	[tilespmem:s3], [sflag:$0x4] =	stream.linear.gather [hbm4b:s13+s4], $0x50, $0x38;
	[tilespmem:$0x1D980] =	vst v63  }
0xea: {  	_ =	swait.ge [sflag:s17], $0x2800  }
0xeb: {  	[sflag:s17] =	ssyncset.done $0x0  }
0xec: {  	[sflag:s17] =	ssyncadd.s32 $0xFFFFD800  }
0xed: {  	_ =	swait.ge [sflag:s18], $0x50  }
0xee: {  	[sflag:s18] =	ssyncset.done $0x0  }
0xef: {  	[sflag:s18] =	ssyncadd.s32 $0xFFFFFFB0  }
0xf0: {  	[spmem:s2] =	stream.indirect.scatter.add.f32 [tilespmem:s5], [sflag:$0x8], $0x80, s6, s15, $0xb8;
	[tilespmem:$0x1D980] =	vst v63  }
0xf1: {  	_ =	swait.ge [sflag:s19], $0x2800  }
0xf2: {  	[sflag:s19] =	ssyncset.done $0x0  }
0xf3: {  	s26 =	sshrl.u32 s11, $0x3;
	[sflag:s19] =	ssyncadd.s32 $0xFFFFD800  }
0xf4: {  	[tilespmem:s5], [sflag:$0x2] =	stream.linear.gather [hbm4b:s12+s4], $0x2800, $0x38;
	[tilespmem:$0x1D980] =	vst v63  }
0xf5: {  	s13 =	sadd.s32 s1, s26  }
0xf6: {  	[tilespmem:s6], [sflag:$0x5] =	stream.linear.gather [hbm4b:s13+s4], $0x50, $0x38;
	[tilespmem:$0x1D980] =	vst v63  }
0xf7: {  	_ =	swait.ge [sflag:s22], $0x2800  }
0xf8: {  	[sflag:s22] =	ssyncset.done $0x0  }
.Ltmp4:
0xf9: {  	[sflag:s22] =	ssyncadd.s32 $0xFFFFD800;
	(pc) =	sbr.rel .LBB2_4-.Ltmp4, $4  }
0xfa: {  	_ =	swait.ge [sflag:s23], $0x50  }
0xfb: {  	s25 =	sadd.s32 $0xFFFFFFFF, s25;
	[sflag:s23] =	ssyncset.done $0x0  }
0xfc: {  	s11 =	sadd.s32 $0xF0, s11;
	s12 =	sadd.s32 $0xF00, s12;
	[sflag:s23] =	ssyncadd.s32 $0xFFFFFFB0  }
0xfd: {  	[spmem:s2] =	stream.indirect.scatter.add.f32 [tilespmem:s20], [sflag:$0x9], $0x80, s21, s15, $0xb8;
	[tilespmem:$0x1D980] =	vst v63  }
.LBB2_7:
0xfe: {  	_ =	sfence.sel $0x180000  }
0xff: {  	[bflag:$0x0] =	sbarrier.arrive $0xFFFF  }
0x100: {  	_ =	strace $0x90000047  }
0x101: {  	s0 =	stileid.u32;
	[bflag:$0x2] =	sbarrier.arrive $0xFFFF  }
0x102: {  	p0 =	sne.s32 s0, $0x0;
	s0 =	rddreg [dreg:$0x4]  }
0x103: {  	s0 =	sadd.s32 @!p0 $0x100000, s0  }
0x104: {  	[sflag:s0] =	ssyncadd.tile.s32 @!p0 $0x1;
	_ =	shalt  }
.Lfunc_end2:
_tile_overlayer_lowered:
.L_overlay_start_2:
0x105: {  	(tag) =	ssettag $0x2  }
0x106: {  	s0 =	rddreg [dreg:$0x0];
	s2 =	stileid.u32  }
0x107: {  	s1 =	rddreg [dreg:$0x1];
	p0 =	sne.s32 s2, $0x0  }
0x108: {  	s3 =	rddreg [dreg:$0x2];
	[bflag:$0x3] =	sbarrier.arrive $0xFFFF;
	s2 =	simm.s32 @!p0 $0x1C0A  }
0x109: {  	[timem:s3], [sflag:s2] =	dma.local @!p0 [hbm:s0], s1  }
0x10a: {  	s0 =	simm.s32 @!p0 $0xA  }
0x10b: {  	_ =	swait.ge @!p0 [sflag:s0], s1  }
0x10c: {  	s1 =	ssub.s32 @!p0 $0x0, s1;
	[sflag:s0] =	ssyncset.done @!p0 $0x0  }
0x10d: {  	[sflag:s0] =	ssyncadd.s32 @!p0 s1  }
0x10e: {  	[bflag:$0x3] =	sbarrier.arrive $0xFFFF  }
0x10f: {  	_ =	shalt  }

</sc_bundles>
